<compile_context>
chip_gen: v7x
topology: tpu7x:2x2x1
jax: 0.10.2.dev20260603
libtpu: 0.0.44.dev20260713+nightly
codegen_flags: <defaults>
</compile_context>

<pallas_src>
import functools

import jax
import jax.numpy as jnp
from jax import lax
from jax.experimental import pallas as pl
from jax.experimental.pallas import tpu as pltpu
from jax.experimental.pallas import tpu_sc as plsc

_INFO = plsc.get_sparse_core_info()
_NC, _NS = _INFO.num_cores, _INFO.num_subcores
_NW = _NC * _NS

_ROWS, _D = 100000, 128
_B0, _B1 = 4096, 50
_N = _B0 * _B1
_CHUNK = 64
_NCHUNKS = _N // _CHUNK
_CPW = _NCHUNKS // _NW
_NBUF = 5
_NG = _CPW // _NBUF


@functools.partial(
    pl.kernel,
    out_type=jax.ShapeDtypeStruct((_N, _D), jnp.float32),
    mesh=plsc.VectorSubcoreMesh(core_axis_name="c", subcore_axis_name="s"),
    scratch_types=[
        pltpu.VMEM((_CPW, _CHUNK), jnp.int32),
        pltpu.VMEM((_NBUF, _CHUNK, _D), jnp.float32),
    ]
    + [pltpu.SemaphoreType.DMA] * (2 * _NBUF),
)
def _gather_sc(table_hbm, idx_hbm, out_hbm, idx_v, rows_v, *sems):
    gsems, wsems = sems[:_NBUF], sems[_NBUF:]
    wid = lax.axis_index("s") * _NC + lax.axis_index("c")
    base = wid * _CPW
    pltpu.sync_copy(idx_hbm.at[wid], idx_v)

    def out_slice(j):
        off = pl.multiple_of((base + j) * _CHUNK, _CHUNK)
        return out_hbm.at[pl.ds(off, _CHUNK)]

    for b in range(_NBUF):
        pltpu.async_copy(table_hbm.at[idx_v.at[b]], rows_v.at[b], gsems[b])

    def group(g, carry):
        for b in range(_NBUF):
            j = g * _NBUF + b
            pltpu.make_async_copy(
                table_hbm.at[idx_v.at[j]], rows_v.at[b], gsems[b]).wait()
            pltpu.async_copy(rows_v.at[b], out_slice(j), wsems[b])
        for b in range(_NBUF):
            jn = (g + 1) * _NBUF + b
            pltpu.make_async_copy(
                rows_v.at[b], out_slice(jn - _NBUF), wsems[b]).wait()
            pltpu.async_copy(table_hbm.at[idx_v.at[jn]], rows_v.at[b], gsems[b])
        return carry

    lax.fori_loop(0, _NG - 1, group, 0)

    last = (_NG - 1) * _NBUF
    for b in range(_NBUF):
        j = last + b
        pltpu.make_async_copy(
            table_hbm.at[idx_v.at[j]], rows_v.at[b], gsems[b]).wait()
        pltpu.async_copy(rows_v.at[b], out_slice(j), wsems[b])
    for b in range(_NBUF):
        pltpu.make_async_copy(
            rows_v.at[b], out_slice(last + b), wsems[b]).wait()


def kernel(tensor, indexes):
    idx_t = indexes.astype(jnp.int32).T.reshape(_NW, _CPW, _CHUNK)
    out = _gather_sc(tensor, idx_t)
    return out.reshape(_B1, _B0, _D).transpose(1, 0, 2)

# --- scband reference (transcript-rebuilt; emitter-appended) ---
"""Pipeline reference for scband-selector-46359876993482 (READ-ONLY COPY).

The authoritative reference and input builder live on the scoring server;
editing this copy changes nothing except your own understanding.
"""

import jax, jax.numpy as jnp
import numpy as np


def setup_inputs(seed: int = 0) -> dict:
    key = jax.random.key(seed)
    k1, k2 = jax.random.split(key)
    tensor = jax.random.normal(k1, (100000, 128), dtype=jnp.float32)
    indexes = jax.random.randint(k2, (4096, 50), 0, 100000, dtype=jnp.int64)
    return {"tensor": tensor, "indexes": indexes}


def reference(tensor, indexes):
    # Faithful translation of torch's tensor[indexes]: gather along axis 0.
    return jnp.take(tensor, indexes, axis=0)

if __name__ == "__main__":
    import jax
    _d = setup_inputs()
    print(jax.jit(kernel)(*tuple(_d.values())))

</pallas_src>

<mosaic_0001>
#map = affine_map<(d0, d1) -> (0, 0)>
#map1 = affine_map<(d0, d1) -> (0, 0, 0)>
module attributes {stable_mosaic.version = 14 : i64} {
  func.func @_gather_sc(%arg0: i32, %arg1: i32, %arg2: memref<100000x128xf32, #tpu.memory_space<hbm>>, %arg3: memref<32x100x64xi32, #tpu.memory_space<hbm>>, %arg4: memref<204800x128xf32, #tpu.memory_space<hbm>>, %arg5: memref<100x64xi32, #tpu.memory_space<vmem>>, %arg6: memref<5x64x128xf32, #tpu.memory_space<vmem>>, %arg7: memref<!tpu.dma_semaphore, #tpu.memory_space<semaphore_mem>>, %arg8: memref<!tpu.dma_semaphore, #tpu.memory_space<semaphore_mem>>, %arg9: memref<!tpu.dma_semaphore, #tpu.memory_space<semaphore_mem>>, %arg10: memref<!tpu.dma_semaphore, #tpu.memory_space<semaphore_mem>>, %arg11: memref<!tpu.dma_semaphore, #tpu.memory_space<semaphore_mem>>, %arg12: memref<!tpu.dma_semaphore, #tpu.memory_space<semaphore_mem>>, %arg13: memref<!tpu.dma_semaphore, #tpu.memory_space<semaphore_mem>>, %arg14: memref<!tpu.dma_semaphore, #tpu.memory_space<semaphore_mem>>, %arg15: memref<!tpu.dma_semaphore, #tpu.memory_space<semaphore_mem>>, %arg16: memref<!tpu.dma_semaphore, #tpu.memory_space<semaphore_mem>>) attributes {dimension_semantics = [#tpu.dimension_semantics<core_parallel>, #tpu.dimension_semantics<subcore_parallel>], iteration_bounds = array<i64: 2, 16>, scalar_prefetch = 0 : i64, scratch_operands = 12 : i64, tpu.core_type = #tpu.core_type<sc_vector_subcore>, window_params = [{transform_indices = #map}, {transform_indices = #map1}, {transform_indices = #map}]} {
    %mul3A = arith.constant 2 : i32
    %mul3A_0 = arith.muli %arg1, %mul3A : i32
    %add3A = arith.addi %mul3A_0, %arg0 : i32
    %mul3A_1 = arith.constant 100 : i32
    %mul3A_2 = arith.muli %add3A, %mul3A_1 : i32
    "tpu.region"() ({
      %run_scoped3A = tpu.sem_alloc : memref<!tpu.dma_semaphore, #tpu.memory_space<semaphore_mem>>
      %dma_start3A_305 = arith.constant 0 : i32
      %dma_start3A_306 = arith.constant 0 : i32
      %dma_start3A_307 = tpu.memref_slice %arg3[%add3A, %dma_start3A_305, %dma_start3A_306] : memref<32x100x64xi32, #tpu.memory_space<hbm>> -> memref<1x100x64xi32, #tpu.memory_space<hbm>>
      %dma_start3A_308 = tpu.memref_squeeze %dma_start3A_307 : memref<1x100x64xi32, #tpu.memory_space<hbm>> -> memref<100x64xi32, #tpu.memory_space<hbm>>
      %dma_start3A_309 = arith.constant 0 : i32
      %dma_start3A_310 = arith.constant 0 : i32
      %dma_start3A_311 = tpu.memref_slice %arg3[%add3A, %dma_start3A_309, %dma_start3A_310] : memref<32x100x64xi32, #tpu.memory_space<hbm>> -> memref<1x100x64xi32, #tpu.memory_space<hbm>>
      %dma_start3A_312 = tpu.memref_squeeze %dma_start3A_311 : memref<1x100x64xi32, #tpu.memory_space<hbm>> -> memref<100x64xi32, #tpu.memory_space<hbm>>
      tpu.enqueue_dma source(%dma_start3A_312 : memref<100x64xi32, #tpu.memory_space<hbm>>) target(%arg5 : memref<100x64xi32, #tpu.memory_space<vmem>>) target_semaphore(%run_scoped3A : memref<!tpu.dma_semaphore, #tpu.memory_space<semaphore_mem>>)
      %dma_wait3A_313 = arith.constant 0 : i32
      %dma_wait3A_314 = arith.constant 0 : i32
      %dma_wait3A_315 = tpu.memref_slice %arg3[%add3A, %dma_wait3A_313, %dma_wait3A_314] : memref<32x100x64xi32, #tpu.memory_space<hbm>> -> memref<1x100x64xi32, #tpu.memory_space<hbm>>
      %dma_wait3A_316 = tpu.memref_squeeze %dma_wait3A_315 : memref<1x100x64xi32, #tpu.memory_space<hbm>> -> memref<100x64xi32, #tpu.memory_space<hbm>>
      %dma_wait3A_317 = arith.constant 0 : i32
      %dma_wait3A_318 = arith.constant 0 : i32
      %dma_wait3A_319 = tpu.memref_slice %arg3[%add3A, %dma_wait3A_317, %dma_wait3A_318] : memref<32x100x64xi32, #tpu.memory_space<hbm>> -> memref<1x100x64xi32, #tpu.memory_space<hbm>>
      %dma_wait3A_320 = tpu.memref_squeeze %dma_wait3A_319 : memref<1x100x64xi32, #tpu.memory_space<hbm>> -> memref<100x64xi32, #tpu.memory_space<hbm>>
      tpu.wait_dma2 semaphore(%run_scoped3A : memref<!tpu.dma_semaphore, #tpu.memory_space<semaphore_mem>>) src(%dma_wait3A_320 : memref<100x64xi32, #tpu.memory_space<hbm>>) dst(%arg5 : memref<100x64xi32, #tpu.memory_space<vmem>>)
      tpu.yield
    }) : () -> ()
    %dma_start3A = arith.constant 0 : i32
    %dma_start3A_3 = arith.constant 0 : i32
    %dma_start3A_4 = arith.constant 0 : i32
    %dma_start3A_5 = arith.constant 0 : i32
    %dma_start3A_6 = tpu.memref_slice %arg6[%dma_start3A_3, %dma_start3A_4, %dma_start3A_5] : memref<5x64x128xf32, #tpu.memory_space<vmem>> -> memref<1x64x128xf32, #tpu.memory_space<vmem>>
    %dma_start3A_7 = tpu.memref_squeeze %dma_start3A_6 : memref<1x64x128xf32, #tpu.memory_space<vmem>> -> memref<64x128xf32, #tpu.memory_space<vmem>>
    %dma_start3A_8 = arith.constant 0 : i32
    %dma_start3A_9 = tpu.memref_slice %arg5[%dma_start3A, %dma_start3A_8] : memref<100x64xi32, #tpu.memory_space<vmem>> -> memref<1x64xi32, #tpu.memory_space<vmem>>
    %dma_start3A_10 = tpu.memref_squeeze %dma_start3A_9 : memref<1x64xi32, #tpu.memory_space<vmem>> -> memref<64xi32, #tpu.memory_space<vmem>>
    %dma_start3A_11 = arith.constant 0 : i32
    %dma_start3A_12 = arith.constant 0 : i32
    %dma_start3A_13 = tpu.memref_slice %arg2[%dma_start3A_11, %dma_start3A_12] : memref<100000x128xf32, #tpu.memory_space<hbm>> -> memref<100000x128xf32, #tpu.memory_space<hbm>>
    tpu.enqueue_indirect_dma source(%dma_start3A_13 : memref<100000x128xf32, #tpu.memory_space<hbm>>) target(%dma_start3A_7 : memref<64x128xf32, #tpu.memory_space<vmem>>) offsets(%dma_start3A_10 : memref<64xi32, #tpu.memory_space<vmem>>) semaphore(%arg7 : memref<!tpu.dma_semaphore, #tpu.memory_space<semaphore_mem>>)
    %dma_start3A_14 = arith.constant 1 : i32
    %dma_start3A_15 = arith.constant 1 : i32
    %dma_start3A_16 = arith.constant 0 : i32
    %dma_start3A_17 = arith.constant 0 : i32
    %dma_start3A_18 = tpu.memref_slice %arg6[%dma_start3A_15, %dma_start3A_16, %dma_start3A_17] : memref<5x64x128xf32, #tpu.memory_space<vmem>> -> memref<1x64x128xf32, #tpu.memory_space<vmem>>
    %dma_start3A_19 = tpu.memref_squeeze %dma_start3A_18 : memref<1x64x128xf32, #tpu.memory_space<vmem>> -> memref<64x128xf32, #tpu.memory_space<vmem>>
    %dma_start3A_20 = arith.constant 0 : i32
    %dma_start3A_21 = tpu.memref_slice %arg5[%dma_start3A_14, %dma_start3A_20] : memref<100x64xi32, #tpu.memory_space<vmem>> -> memref<1x64xi32, #tpu.memory_space<vmem>>
    %dma_start3A_22 = tpu.memref_squeeze %dma_start3A_21 : memref<1x64xi32, #tpu.memory_space<vmem>> -> memref<64xi32, #tpu.memory_space<vmem>>
    %dma_start3A_23 = arith.constant 0 : i32
    %dma_start3A_24 = arith.constant 0 : i32
    %dma_start3A_25 = tpu.memref_slice %arg2[%dma_start3A_23, %dma_start3A_24] : memref<100000x128xf32, #tpu.memory_space<hbm>> -> memref<100000x128xf32, #tpu.memory_space<hbm>>
    tpu.enqueue_indirect_dma source(%dma_start3A_25 : memref<100000x128xf32, #tpu.memory_space<hbm>>) target(%dma_start3A_19 : memref<64x128xf32, #tpu.memory_space<vmem>>) offsets(%dma_start3A_22 : memref<64xi32, #tpu.memory_space<vmem>>) semaphore(%arg8 : memref<!tpu.dma_semaphore, #tpu.memory_space<semaphore_mem>>)
    %dma_start3A_26 = arith.constant 2 : i32
    %dma_start3A_27 = arith.constant 2 : i32
    %dma_start3A_28 = arith.constant 0 : i32
    %dma_start3A_29 = arith.constant 0 : i32
    %dma_start3A_30 = tpu.memref_slice %arg6[%dma_start3A_27, %dma_start3A_28, %dma_start3A_29] : memref<5x64x128xf32, #tpu.memory_space<vmem>> -> memref<1x64x128xf32, #tpu.memory_space<vmem>>
    %dma_start3A_31 = tpu.memref_squeeze %dma_start3A_30 : memref<1x64x128xf32, #tpu.memory_space<vmem>> -> memref<64x128xf32, #tpu.memory_space<vmem>>
    %dma_start3A_32 = arith.constant 0 : i32
    %dma_start3A_33 = tpu.memref_slice %arg5[%dma_start3A_26, %dma_start3A_32] : memref<100x64xi32, #tpu.memory_space<vmem>> -> memref<1x64xi32, #tpu.memory_space<vmem>>
    %dma_start3A_34 = tpu.memref_squeeze %dma_start3A_33 : memref<1x64xi32, #tpu.memory_space<vmem>> -> memref<64xi32, #tpu.memory_space<vmem>>
    %dma_start3A_35 = arith.constant 0 : i32
    %dma_start3A_36 = arith.constant 0 : i32
    %dma_start3A_37 = tpu.memref_slice %arg2[%dma_start3A_35, %dma_start3A_36] : memref<100000x128xf32, #tpu.memory_space<hbm>> -> memref<100000x128xf32, #tpu.memory_space<hbm>>
    tpu.enqueue_indirect_dma source(%dma_start3A_37 : memref<100000x128xf32, #tpu.memory_space<hbm>>) target(%dma_start3A_31 : memref<64x128xf32, #tpu.memory_space<vmem>>) offsets(%dma_start3A_34 : memref<64xi32, #tpu.memory_space<vmem>>) semaphore(%arg9 : memref<!tpu.dma_semaphore, #tpu.memory_space<semaphore_mem>>)
    %dma_start3A_38 = arith.constant 3 : i32
    %dma_start3A_39 = arith.constant 3 : i32
    %dma_start3A_40 = arith.constant 0 : i32
    %dma_start3A_41 = arith.constant 0 : i32
    %dma_start3A_42 = tpu.memref_slice %arg6[%dma_start3A_39, %dma_start3A_40, %dma_start3A_41] : memref<5x64x128xf32, #tpu.memory_space<vmem>> -> memref<1x64x128xf32, #tpu.memory_space<vmem>>
    %dma_start3A_43 = tpu.memref_squeeze %dma_start3A_42 : memref<1x64x128xf32, #tpu.memory_space<vmem>> -> memref<64x128xf32, #tpu.memory_space<vmem>>
    %dma_start3A_44 = arith.constant 0 : i32
    %dma_start3A_45 = tpu.memref_slice %arg5[%dma_start3A_38, %dma_start3A_44] : memref<100x64xi32, #tpu.memory_space<vmem>> -> memref<1x64xi32, #tpu.memory_space<vmem>>
    %dma_start3A_46 = tpu.memref_squeeze %dma_start3A_45 : memref<1x64xi32, #tpu.memory_space<vmem>> -> memref<64xi32, #tpu.memory_space<vmem>>
    %dma_start3A_47 = arith.constant 0 : i32
    %dma_start3A_48 = arith.constant 0 : i32
    %dma_start3A_49 = tpu.memref_slice %arg2[%dma_start3A_47, %dma_start3A_48] : memref<100000x128xf32, #tpu.memory_space<hbm>> -> memref<100000x128xf32, #tpu.memory_space<hbm>>
    tpu.enqueue_indirect_dma source(%dma_start3A_49 : memref<100000x128xf32, #tpu.memory_space<hbm>>) target(%dma_start3A_43 : memref<64x128xf32, #tpu.memory_space<vmem>>) offsets(%dma_start3A_46 : memref<64xi32, #tpu.memory_space<vmem>>) semaphore(%arg10 : memref<!tpu.dma_semaphore, #tpu.memory_space<semaphore_mem>>)
    %dma_start3A_50 = arith.constant 4 : i32
    %dma_start3A_51 = arith.constant 4 : i32
    %dma_start3A_52 = arith.constant 0 : i32
    %dma_start3A_53 = arith.constant 0 : i32
    %dma_start3A_54 = tpu.memref_slice %arg6[%dma_start3A_51, %dma_start3A_52, %dma_start3A_53] : memref<5x64x128xf32, #tpu.memory_space<vmem>> -> memref<1x64x128xf32, #tpu.memory_space<vmem>>
    %dma_start3A_55 = tpu.memref_squeeze %dma_start3A_54 : memref<1x64x128xf32, #tpu.memory_space<vmem>> -> memref<64x128xf32, #tpu.memory_space<vmem>>
    %dma_start3A_56 = arith.constant 0 : i32
    %dma_start3A_57 = tpu.memref_slice %arg5[%dma_start3A_50, %dma_start3A_56] : memref<100x64xi32, #tpu.memory_space<vmem>> -> memref<1x64xi32, #tpu.memory_space<vmem>>
    %dma_start3A_58 = tpu.memref_squeeze %dma_start3A_57 : memref<1x64xi32, #tpu.memory_space<vmem>> -> memref<64xi32, #tpu.memory_space<vmem>>
    %dma_start3A_59 = arith.constant 0 : i32
    %dma_start3A_60 = arith.constant 0 : i32
    %dma_start3A_61 = tpu.memref_slice %arg2[%dma_start3A_59, %dma_start3A_60] : memref<100000x128xf32, #tpu.memory_space<hbm>> -> memref<100000x128xf32, #tpu.memory_space<hbm>>
    tpu.enqueue_indirect_dma source(%dma_start3A_61 : memref<100000x128xf32, #tpu.memory_space<hbm>>) target(%dma_start3A_55 : memref<64x128xf32, #tpu.memory_space<vmem>>) offsets(%dma_start3A_58 : memref<64xi32, #tpu.memory_space<vmem>>) semaphore(%arg11 : memref<!tpu.dma_semaphore, #tpu.memory_space<semaphore_mem>>)
    %scan3A = arith.constant 0 : i32
    %scan3A_62 = arith.constant 0 : i32
    %scan3A_63 = arith.constant 19 : i32
    %scan3A_64 = arith.addi %scan3A_62, %scan3A_63 : i32
    %scan3A_65 = arith.constant 1 : i32
    scf.for %scan3A_305 = %scan3A_62 to %scan3A_64 step %scan3A_65  : i32 {
      %mul3A_306 = arith.constant 5 : i32
      %mul3A_307 = arith.muli %scan3A_305, %mul3A_306 : i32
      %add3A_308 = arith.constant 0 : i32
      %add3A_309 = arith.addi %mul3A_307, %add3A_308 : i32
      %dma_wait3A_310 = arith.constant 0 : i32
      %dma_wait3A_311 = arith.constant 0 : i32
      %dma_wait3A_312 = arith.constant 0 : i32
      %dma_wait3A_313 = tpu.memref_slice %arg6[%dma_wait3A_310, %dma_wait3A_311, %dma_wait3A_312] : memref<5x64x128xf32, #tpu.memory_space<vmem>> -> memref<1x64x128xf32, #tpu.memory_space<vmem>>
      %dma_wait3A_314 = tpu.memref_squeeze %dma_wait3A_313 : memref<1x64x128xf32, #tpu.memory_space<vmem>> -> memref<64x128xf32, #tpu.memory_space<vmem>>
      %dma_wait3A_315 = arith.constant 0 : i32
      %dma_wait3A_316 = tpu.memref_slice %arg5[%add3A_309, %dma_wait3A_315] : memref<100x64xi32, #tpu.memory_space<vmem>> -> memref<1x64xi32, #tpu.memory_space<vmem>>
      %dma_wait3A_317 = tpu.memref_squeeze %dma_wait3A_316 : memref<1x64xi32, #tpu.memory_space<vmem>> -> memref<64xi32, #tpu.memory_space<vmem>>
      %dma_wait3A_318 = arith.constant 0 : i32
      %dma_wait3A_319 = arith.constant 0 : i32
      %dma_wait3A_320 = tpu.memref_slice %arg2[%dma_wait3A_318, %dma_wait3A_319] : memref<100000x128xf32, #tpu.memory_space<hbm>> -> memref<100000x128xf32, #tpu.memory_space<hbm>>
      tpu.wait_indirect_dma semaphore(%arg7 : memref<!tpu.dma_semaphore, #tpu.memory_space<semaphore_mem>>) src(%dma_wait3A_320 : memref<100000x128xf32, #tpu.memory_space<hbm>>) dst(%dma_wait3A_314 : memref<64x128xf32, #tpu.memory_space<vmem>>)
      %add3A_321 = arith.addi %mul3A_2, %add3A_309 : i32
      %mul3A_322 = arith.constant 64 : i32
      %mul3A_323 = arith.muli %add3A_321, %mul3A_322 : i32
      %multiple_of3A_324 = tpu.assume_multiple %mul3A_323, 64 : i32
      %dma_start3A_325 = arith.constant 0 : i32
      %dma_start3A_326 = arith.constant 0 : i32
      %dma_start3A_327 = arith.constant 0 : i32
      %dma_start3A_328 = tpu.memref_slice %arg6[%dma_start3A_325, %dma_start3A_326, %dma_start3A_327] : memref<5x64x128xf32, #tpu.memory_space<vmem>> -> memref<1x64x128xf32, #tpu.memory_space<vmem>>
      %dma_start3A_329 = tpu.memref_squeeze %dma_start3A_328 : memref<1x64x128xf32, #tpu.memory_space<vmem>> -> memref<64x128xf32, #tpu.memory_space<vmem>>
      %dma_start3A_330 = arith.constant 0 : i32
      %dma_start3A_331 = tpu.memref_slice %arg4[%multiple_of3A_324, %dma_start3A_330] : memref<204800x128xf32, #tpu.memory_space<hbm>> -> memref<64x128xf32, #tpu.memory_space<hbm>>
      %dma_start3A_332 = arith.constant 0 : i32
      %dma_start3A_333 = tpu.memref_slice %arg4[%multiple_of3A_324, %dma_start3A_332] : memref<204800x128xf32, #tpu.memory_space<hbm>> -> memref<64x128xf32, #tpu.memory_space<hbm>>
      %dma_start3A_334 = arith.constant 0 : i32
      %dma_start3A_335 = arith.constant 0 : i32
      %dma_start3A_336 = tpu.memref_slice %arg6[%dma_start3A_325, %dma_start3A_334, %dma_start3A_335] : memref<5x64x128xf32, #tpu.memory_space<vmem>> -> memref<1x64x128xf32, #tpu.memory_space<vmem>>
      %dma_start3A_337 = tpu.memref_squeeze %dma_start3A_336 : memref<1x64x128xf32, #tpu.memory_space<vmem>> -> memref<64x128xf32, #tpu.memory_space<vmem>>
      tpu.enqueue_dma source(%dma_start3A_337 : memref<64x128xf32, #tpu.memory_space<vmem>>) target(%dma_start3A_333 : memref<64x128xf32, #tpu.memory_space<hbm>>) target_semaphore(%arg12 : memref<!tpu.dma_semaphore, #tpu.memory_space<semaphore_mem>>)
      %mul3A_338 = arith.constant 5 : i32
      %mul3A_339 = arith.muli %scan3A_305, %mul3A_338 : i32
      %add3A_340 = arith.constant 1 : i32
      %add3A_341 = arith.addi %mul3A_339, %add3A_340 : i32
      %dma_wait3A_342 = arith.constant 1 : i32
      %dma_wait3A_343 = arith.constant 0 : i32
      %dma_wait3A_344 = arith.constant 0 : i32
      %dma_wait3A_345 = tpu.memref_slice %arg6[%dma_wait3A_342, %dma_wait3A_343, %dma_wait3A_344] : memref<5x64x128xf32, #tpu.memory_space<vmem>> -> memref<1x64x128xf32, #tpu.memory_space<vmem>>
      %dma_wait3A_346 = tpu.memref_squeeze %dma_wait3A_345 : memref<1x64x128xf32, #tpu.memory_space<vmem>> -> memref<64x128xf32, #tpu.memory_space<vmem>>
      %dma_wait3A_347 = arith.constant 0 : i32
      %dma_wait3A_348 = tpu.memref_slice %arg5[%add3A_341, %dma_wait3A_347] : memref<100x64xi32, #tpu.memory_space<vmem>> -> memref<1x64xi32, #tpu.memory_space<vmem>>
      %dma_wait3A_349 = tpu.memref_squeeze %dma_wait3A_348 : memref<1x64xi32, #tpu.memory_space<vmem>> -> memref<64xi32, #tpu.memory_space<vmem>>
      %dma_wait3A_350 = arith.constant 0 : i32
      %dma_wait3A_351 = arith.constant 0 : i32
      %dma_wait3A_352 = tpu.memref_slice %arg2[%dma_wait3A_350, %dma_wait3A_351] : memref<100000x128xf32, #tpu.memory_space<hbm>> -> memref<100000x128xf32, #tpu.memory_space<hbm>>
      tpu.wait_indirect_dma semaphore(%arg8 : memref<!tpu.dma_semaphore, #tpu.memory_space<semaphore_mem>>) src(%dma_wait3A_352 : memref<100000x128xf32, #tpu.memory_space<hbm>>) dst(%dma_wait3A_346 : memref<64x128xf32, #tpu.memory_space<vmem>>)
      %add3A_353 = arith.addi %mul3A_2, %add3A_341 : i32
      %mul3A_354 = arith.constant 64 : i32
      %mul3A_355 = arith.muli %add3A_353, %mul3A_354 : i32
      %multiple_of3A_356 = tpu.assume_multiple %mul3A_355, 64 : i32
      %dma_start3A_357 = arith.constant 1 : i32
      %dma_start3A_358 = arith.constant 0 : i32
      %dma_start3A_359 = arith.constant 0 : i32
      %dma_start3A_360 = tpu.memref_slice %arg6[%dma_start3A_357, %dma_start3A_358, %dma_start3A_359] : memref<5x64x128xf32, #tpu.memory_space<vmem>> -> memref<1x64x128xf32, #tpu.memory_space<vmem>>
      %dma_start3A_361 = tpu.memref_squeeze %dma_start3A_360 : memref<1x64x128xf32, #tpu.memory_space<vmem>> -> memref<64x128xf32, #tpu.memory_space<vmem>>
      %dma_start3A_362 = arith.constant 0 : i32
      %dma_start3A_363 = tpu.memref_slice %arg4[%multiple_of3A_356, %dma_start3A_362] : memref<204800x128xf32, #tpu.memory_space<hbm>> -> memref<64x128xf32, #tpu.memory_space<hbm>>
      %dma_start3A_364 = arith.constant 0 : i32
      %dma_start3A_365 = tpu.memref_slice %arg4[%multiple_of3A_356, %dma_start3A_364] : memref<204800x128xf32, #tpu.memory_space<hbm>> -> memref<64x128xf32, #tpu.memory_space<hbm>>
      %dma_start3A_366 = arith.constant 0 : i32
      %dma_start3A_367 = arith.constant 0 : i32
      %dma_start3A_368 = tpu.memref_slice %arg6[%dma_start3A_357, %dma_start3A_366, %dma_start3A_367] : memref<5x64x128xf32, #tpu.memory_space<vmem>> -> memref<1x64x128xf32, #tpu.memory_space<vmem>>
      %dma_start3A_369 = tpu.memref_squeeze %dma_start3A_368 : memref<1x64x128xf32, #tpu.memory_space<vmem>> -> memref<64x128xf32, #tpu.memory_space<vmem>>
      tpu.enqueue_dma source(%dma_start3A_369 : memref<64x128xf32, #tpu.memory_space<vmem>>) target(%dma_start3A_365 : memref<64x128xf32, #tpu.memory_space<hbm>>) target_semaphore(%arg13 : memref<!tpu.dma_semaphore, #tpu.memory_space<semaphore_mem>>)
      %mul3A_370 = arith.constant 5 : i32
      %mul3A_371 = arith.muli %scan3A_305, %mul3A_370 : i32
      %add3A_372 = arith.constant 2 : i32
      %add3A_373 = arith.addi %mul3A_371, %add3A_372 : i32
      %dma_wait3A_374 = arith.constant 2 : i32
      %dma_wait3A_375 = arith.constant 0 : i32
      %dma_wait3A_376 = arith.constant 0 : i32
      %dma_wait3A_377 = tpu.memref_slice %arg6[%dma_wait3A_374, %dma_wait3A_375, %dma_wait3A_376] : memref<5x64x128xf32, #tpu.memory_space<vmem>> -> memref<1x64x128xf32, #tpu.memory_space<vmem>>
      %dma_wait3A_378 = tpu.memref_squeeze %dma_wait3A_377 : memref<1x64x128xf32, #tpu.memory_space<vmem>> -> memref<64x128xf32, #tpu.memory_space<vmem>>
      %dma_wait3A_379 = arith.constant 0 : i32
      %dma_wait3A_380 = tpu.memref_slice %arg5[%add3A_373, %dma_wait3A_379] : memref<100x64xi32, #tpu.memory_space<vmem>> -> memref<1x64xi32, #tpu.memory_space<vmem>>
      %dma_wait3A_381 = tpu.memref_squeeze %dma_wait3A_380 : memref<1x64xi32, #tpu.memory_space<vmem>> -> memref<64xi32, #tpu.memory_space<vmem>>
      %dma_wait3A_382 = arith.constant 0 : i32
      %dma_wait3A_383 = arith.constant 0 : i32
      %dma_wait3A_384 = tpu.memref_slice %arg2[%dma_wait3A_382, %dma_wait3A_383] : memref<100000x128xf32, #tpu.memory_space<hbm>> -> memref<100000x128xf32, #tpu.memory_space<hbm>>
      tpu.wait_indirect_dma semaphore(%arg9 : memref<!tpu.dma_semaphore, #tpu.memory_space<semaphore_mem>>) src(%dma_wait3A_384 : memref<100000x128xf32, #tpu.memory_space<hbm>>) dst(%dma_wait3A_378 : memref<64x128xf32, #tpu.memory_space<vmem>>)
      %add3A_385 = arith.addi %mul3A_2, %add3A_373 : i32
      %mul3A_386 = arith.constant 64 : i32
      %mul3A_387 = arith.muli %add3A_385, %mul3A_386 : i32
      %multiple_of3A_388 = tpu.assume_multiple %mul3A_387, 64 : i32
      %dma_start3A_389 = arith.constant 2 : i32
      %dma_start3A_390 = arith.constant 0 : i32
      %dma_start3A_391 = arith.constant 0 : i32
      %dma_start3A_392 = tpu.memref_slice %arg6[%dma_start3A_389, %dma_start3A_390, %dma_start3A_391] : memref<5x64x128xf32, #tpu.memory_space<vmem>> -> memref<1x64x128xf32, #tpu.memory_space<vmem>>
      %dma_start3A_393 = tpu.memref_squeeze %dma_start3A_392 : memref<1x64x128xf32, #tpu.memory_space<vmem>> -> memref<64x128xf32, #tpu.memory_space<vmem>>
      %dma_start3A_394 = arith.constant 0 : i32
      %dma_start3A_395 = tpu.memref_slice %arg4[%multiple_of3A_388, %dma_start3A_394] : memref<204800x128xf32, #tpu.memory_space<hbm>> -> memref<64x128xf32, #tpu.memory_space<hbm>>
      %dma_start3A_396 = arith.constant 0 : i32
      %dma_start3A_397 = tpu.memref_slice %arg4[%multiple_of3A_388, %dma_start3A_396] : memref<204800x128xf32, #tpu.memory_space<hbm>> -> memref<64x128xf32, #tpu.memory_space<hbm>>
      %dma_start3A_398 = arith.constant 0 : i32
      %dma_start3A_399 = arith.constant 0 : i32
      %dma_start3A_400 = tpu.memref_slice %arg6[%dma_start3A_389, %dma_start3A_398, %dma_start3A_399] : memref<5x64x128xf32, #tpu.memory_space<vmem>> -> memref<1x64x128xf32, #tpu.memory_space<vmem>>
      %dma_start3A_401 = tpu.memref_squeeze %dma_start3A_400 : memref<1x64x128xf32, #tpu.memory_space<vmem>> -> memref<64x128xf32, #tpu.memory_space<vmem>>
      tpu.enqueue_dma source(%dma_start3A_401 : memref<64x128xf32, #tpu.memory_space<vmem>>) target(%dma_start3A_397 : memref<64x128xf32, #tpu.memory_space<hbm>>) target_semaphore(%arg14 : memref<!tpu.dma_semaphore, #tpu.memory_space<semaphore_mem>>)
      %mul3A_402 = arith.constant 5 : i32
      %mul3A_403 = arith.muli %scan3A_305, %mul3A_402 : i32
      %add3A_404 = arith.constant 3 : i32
      %add3A_405 = arith.addi %mul3A_403, %add3A_404 : i32
      %dma_wait3A_406 = arith.constant 3 : i32
      %dma_wait3A_407 = arith.constant 0 : i32
      %dma_wait3A_408 = arith.constant 0 : i32
      %dma_wait3A_409 = tpu.memref_slice %arg6[%dma_wait3A_406, %dma_wait3A_407, %dma_wait3A_408] : memref<5x64x128xf32, #tpu.memory_space<vmem>> -> memref<1x64x128xf32, #tpu.memory_space<vmem>>
      %dma_wait3A_410 = tpu.memref_squeeze %dma_wait3A_409 : memref<1x64x128xf32, #tpu.memory_space<vmem>> -> memref<64x128xf32, #tpu.memory_space<vmem>>
      %dma_wait3A_411 = arith.constant 0 : i32
      %dma_wait3A_412 = tpu.memref_slice %arg5[%add3A_405, %dma_wait3A_411] : memref<100x64xi32, #tpu.memory_space<vmem>> -> memref<1x64xi32, #tpu.memory_space<vmem>>
      %dma_wait3A_413 = tpu.memref_squeeze %dma_wait3A_412 : memref<1x64xi32, #tpu.memory_space<vmem>> -> memref<64xi32, #tpu.memory_space<vmem>>
      %dma_wait3A_414 = arith.constant 0 : i32
      %dma_wait3A_415 = arith.constant 0 : i32
      %dma_wait3A_416 = tpu.memref_slice %arg2[%dma_wait3A_414, %dma_wait3A_415] : memref<100000x128xf32, #tpu.memory_space<hbm>> -> memref<100000x128xf32, #tpu.memory_space<hbm>>
      tpu.wait_indirect_dma semaphore(%arg10 : memref<!tpu.dma_semaphore, #tpu.memory_space<semaphore_mem>>) src(%dma_wait3A_416 : memref<100000x128xf32, #tpu.memory_space<hbm>>) dst(%dma_wait3A_410 : memref<64x128xf32, #tpu.memory_space<vmem>>)
      %add3A_417 = arith.addi %mul3A_2, %add3A_405 : i32
      %mul3A_418 = arith.constant 64 : i32
      %mul3A_419 = arith.muli %add3A_417, %mul3A_418 : i32
      %multiple_of3A_420 = tpu.assume_multiple %mul3A_419, 64 : i32
      %dma_start3A_421 = arith.constant 3 : i32
      %dma_start3A_422 = arith.constant 0 : i32
      %dma_start3A_423 = arith.constant 0 : i32
      %dma_start3A_424 = tpu.memref_slice %arg6[%dma_start3A_421, %dma_start3A_422, %dma_start3A_423] : memref<5x64x128xf32, #tpu.memory_space<vmem>> -> memref<1x64x128xf32, #tpu.memory_space<vmem>>
      %dma_start3A_425 = tpu.memref_squeeze %dma_start3A_424 : memref<1x64x128xf32, #tpu.memory_space<vmem>> -> memref<64x128xf32, #tpu.memory_space<vmem>>
      %dma_start3A_426 = arith.constant 0 : i32
      %dma_start3A_427 = tpu.memref_slice %arg4[%multiple_of3A_420, %dma_start3A_426] : memref<204800x128xf32, #tpu.memory_space<hbm>> -> memref<64x128xf32, #tpu.memory_space<hbm>>
      %dma_start3A_428 = arith.constant 0 : i32
      %dma_start3A_429 = tpu.memref_slice %arg4[%multiple_of3A_420, %dma_start3A_428] : memref<204800x128xf32, #tpu.memory_space<hbm>> -> memref<64x128xf32, #tpu.memory_space<hbm>>
      %dma_start3A_430 = arith.constant 0 : i32
      %dma_start3A_431 = arith.constant 0 : i32
      %dma_start3A_432 = tpu.memref_slice %arg6[%dma_start3A_421, %dma_start3A_430, %dma_start3A_431] : memref<5x64x128xf32, #tpu.memory_space<vmem>> -> memref<1x64x128xf32, #tpu.memory_space<vmem>>
      %dma_start3A_433 = tpu.memref_squeeze %dma_start3A_432 : memref<1x64x128xf32, #tpu.memory_space<vmem>> -> memref<64x128xf32, #tpu.memory_space<vmem>>
      tpu.enqueue_dma source(%dma_start3A_433 : memref<64x128xf32, #tpu.memory_space<vmem>>) target(%dma_start3A_429 : memref<64x128xf32, #tpu.memory_space<hbm>>) target_semaphore(%arg15 : memref<!tpu.dma_semaphore, #tpu.memory_space<semaphore_mem>>)
      %mul3A_434 = arith.constant 5 : i32
      %mul3A_435 = arith.muli %scan3A_305, %mul3A_434 : i32
      %add3A_436 = arith.constant 4 : i32
      %add3A_437 = arith.addi %mul3A_435, %add3A_436 : i32
      %dma_wait3A_438 = arith.constant 4 : i32
      %dma_wait3A_439 = arith.constant 0 : i32
      %dma_wait3A_440 = arith.constant 0 : i32
      %dma_wait3A_441 = tpu.memref_slice %arg6[%dma_wait3A_438, %dma_wait3A_439, %dma_wait3A_440] : memref<5x64x128xf32, #tpu.memory_space<vmem>> -> memref<1x64x128xf32, #tpu.memory_space<vmem>>
      %dma_wait3A_442 = tpu.memref_squeeze %dma_wait3A_441 : memref<1x64x128xf32, #tpu.memory_space<vmem>> -> memref<64x128xf32, #tpu.memory_space<vmem>>
      %dma_wait3A_443 = arith.constant 0 : i32
      %dma_wait3A_444 = tpu.memref_slice %arg5[%add3A_437, %dma_wait3A_443] : memref<100x64xi32, #tpu.memory_space<vmem>> -> memref<1x64xi32, #tpu.memory_space<vmem>>
      %dma_wait3A_445 = tpu.memref_squeeze %dma_wait3A_444 : memref<1x64xi32, #tpu.memory_space<vmem>> -> memref<64xi32, #tpu.memory_space<vmem>>
      %dma_wait3A_446 = arith.constant 0 : i32
      %dma_wait3A_447 = arith.constant 0 : i32
      %dma_wait3A_448 = tpu.memref_slice %arg2[%dma_wait3A_446, %dma_wait3A_447] : memref<100000x128xf32, #tpu.memory_space<hbm>> -> memref<100000x128xf32, #tpu.memory_space<hbm>>
      tpu.wait_indirect_dma semaphore(%arg11 : memref<!tpu.dma_semaphore, #tpu.memory_space<semaphore_mem>>) src(%dma_wait3A_448 : memref<100000x128xf32, #tpu.memory_space<hbm>>) dst(%dma_wait3A_442 : memref<64x128xf32, #tpu.memory_space<vmem>>)
      %add3A_449 = arith.addi %mul3A_2, %add3A_437 : i32
      %mul3A_450 = arith.constant 64 : i32
      %mul3A_451 = arith.muli %add3A_449, %mul3A_450 : i32
      %multiple_of3A_452 = tpu.assume_multiple %mul3A_451, 64 : i32
      %dma_start3A_453 = arith.constant 4 : i32
      %dma_start3A_454 = arith.constant 0 : i32
      %dma_start3A_455 = arith.constant 0 : i32
      %dma_start3A_456 = tpu.memref_slice %arg6[%dma_start3A_453, %dma_start3A_454, %dma_start3A_455] : memref<5x64x128xf32, #tpu.memory_space<vmem>> -> memref<1x64x128xf32, #tpu.memory_space<vmem>>
      %dma_start3A_457 = tpu.memref_squeeze %dma_start3A_456 : memref<1x64x128xf32, #tpu.memory_space<vmem>> -> memref<64x128xf32, #tpu.memory_space<vmem>>
      %dma_start3A_458 = arith.constant 0 : i32
      %dma_start3A_459 = tpu.memref_slice %arg4[%multiple_of3A_452, %dma_start3A_458] : memref<204800x128xf32, #tpu.memory_space<hbm>> -> memref<64x128xf32, #tpu.memory_space<hbm>>
      %dma_start3A_460 = arith.constant 0 : i32
      %dma_start3A_461 = tpu.memref_slice %arg4[%multiple_of3A_452, %dma_start3A_460] : memref<204800x128xf32, #tpu.memory_space<hbm>> -> memref<64x128xf32, #tpu.memory_space<hbm>>
      %dma_start3A_462 = arith.constant 0 : i32
      %dma_start3A_463 = arith.constant 0 : i32
      %dma_start3A_464 = tpu.memref_slice %arg6[%dma_start3A_453, %dma_start3A_462, %dma_start3A_463] : memref<5x64x128xf32, #tpu.memory_space<vmem>> -> memref<1x64x128xf32, #tpu.memory_space<vmem>>
      %dma_start3A_465 = tpu.memref_squeeze %dma_start3A_464 : memref<1x64x128xf32, #tpu.memory_space<vmem>> -> memref<64x128xf32, #tpu.memory_space<vmem>>
      tpu.enqueue_dma source(%dma_start3A_465 : memref<64x128xf32, #tpu.memory_space<vmem>>) target(%dma_start3A_461 : memref<64x128xf32, #tpu.memory_space<hbm>>) target_semaphore(%arg16 : memref<!tpu.dma_semaphore, #tpu.memory_space<semaphore_mem>>)
      %add3A_466 = arith.constant 1 : i32
      %add3A_467 = arith.addi %scan3A_305, %add3A_466 : i32
      %mul3A_468 = arith.constant 5 : i32
      %mul3A_469 = arith.muli %add3A_467, %mul3A_468 : i32
      %add3A_470 = arith.constant 0 : i32
      %add3A_471 = arith.addi %mul3A_469, %add3A_470 : i32
      %sub3A = arith.constant 5 : i32
      %sub3A_472 = arith.subi %add3A_471, %sub3A : i32
      %add3A_473 = arith.addi %mul3A_2, %sub3A_472 : i32
      %mul3A_474 = arith.constant 64 : i32
      %mul3A_475 = arith.muli %add3A_473, %mul3A_474 : i32
      %multiple_of3A_476 = tpu.assume_multiple %mul3A_475, 64 : i32
      %dma_wait3A_477 = arith.constant 0 : i32
      %dma_wait3A_478 = arith.constant 0 : i32
      %dma_wait3A_479 = arith.constant 0 : i32
      %dma_wait3A_480 = tpu.memref_slice %arg6[%dma_wait3A_477, %dma_wait3A_478, %dma_wait3A_479] : memref<5x64x128xf32, #tpu.memory_space<vmem>> -> memref<1x64x128xf32, #tpu.memory_space<vmem>>
      %dma_wait3A_481 = tpu.memref_squeeze %dma_wait3A_480 : memref<1x64x128xf32, #tpu.memory_space<vmem>> -> memref<64x128xf32, #tpu.memory_space<vmem>>
      %dma_wait3A_482 = arith.constant 0 : i32
      %dma_wait3A_483 = tpu.memref_slice %arg4[%multiple_of3A_476, %dma_wait3A_482] : memref<204800x128xf32, #tpu.memory_space<hbm>> -> memref<64x128xf32, #tpu.memory_space<hbm>>
      %dma_wait3A_484 = arith.constant 0 : i32
      %dma_wait3A_485 = tpu.memref_slice %arg4[%multiple_of3A_476, %dma_wait3A_484] : memref<204800x128xf32, #tpu.memory_space<hbm>> -> memref<64x128xf32, #tpu.memory_space<hbm>>
      %dma_wait3A_486 = arith.constant 0 : i32
      %dma_wait3A_487 = arith.constant 0 : i32
      %dma_wait3A_488 = tpu.memref_slice %arg6[%dma_wait3A_477, %dma_wait3A_486, %dma_wait3A_487] : memref<5x64x128xf32, #tpu.memory_space<vmem>> -> memref<1x64x128xf32, #tpu.memory_space<vmem>>
      %dma_wait3A_489 = tpu.memref_squeeze %dma_wait3A_488 : memref<1x64x128xf32, #tpu.memory_space<vmem>> -> memref<64x128xf32, #tpu.memory_space<vmem>>
      tpu.wait_dma2 semaphore(%arg12 : memref<!tpu.dma_semaphore, #tpu.memory_space<semaphore_mem>>) src(%dma_wait3A_489 : memref<64x128xf32, #tpu.memory_space<vmem>>) dst(%dma_wait3A_485 : memref<64x128xf32, #tpu.memory_space<hbm>>)
      %dma_start3A_490 = arith.constant 0 : i32
      %dma_start3A_491 = arith.constant 0 : i32
      %dma_start3A_492 = arith.constant 0 : i32
      %dma_start3A_493 = tpu.memref_slice %arg6[%dma_start3A_490, %dma_start3A_491, %dma_start3A_492] : memref<5x64x128xf32, #tpu.memory_space<vmem>> -> memref<1x64x128xf32, #tpu.memory_space<vmem>>
      %dma_start3A_494 = tpu.memref_squeeze %dma_start3A_493 : memref<1x64x128xf32, #tpu.memory_space<vmem>> -> memref<64x128xf32, #tpu.memory_space<vmem>>
      %dma_start3A_495 = arith.constant 0 : i32
      %dma_start3A_496 = tpu.memref_slice %arg5[%add3A_471, %dma_start3A_495] : memref<100x64xi32, #tpu.memory_space<vmem>> -> memref<1x64xi32, #tpu.memory_space<vmem>>
      %dma_start3A_497 = tpu.memref_squeeze %dma_start3A_496 : memref<1x64xi32, #tpu.memory_space<vmem>> -> memref<64xi32, #tpu.memory_space<vmem>>
      %dma_start3A_498 = arith.constant 0 : i32
      %dma_start3A_499 = arith.constant 0 : i32
      %dma_start3A_500 = tpu.memref_slice %arg2[%dma_start3A_498, %dma_start3A_499] : memref<100000x128xf32, #tpu.memory_space<hbm>> -> memref<100000x128xf32, #tpu.memory_space<hbm>>
      tpu.enqueue_indirect_dma source(%dma_start3A_500 : memref<100000x128xf32, #tpu.memory_space<hbm>>) target(%dma_start3A_494 : memref<64x128xf32, #tpu.memory_space<vmem>>) offsets(%dma_start3A_497 : memref<64xi32, #tpu.memory_space<vmem>>) semaphore(%arg7 : memref<!tpu.dma_semaphore, #tpu.memory_space<semaphore_mem>>)
      %add3A_501 = arith.constant 1 : i32
      %add3A_502 = arith.addi %scan3A_305, %add3A_501 : i32
      %mul3A_503 = arith.constant 5 : i32
      %mul3A_504 = arith.muli %add3A_502, %mul3A_503 : i32
      %add3A_505 = arith.constant 1 : i32
      %add3A_506 = arith.addi %mul3A_504, %add3A_505 : i32
      %sub3A_507 = arith.constant 5 : i32
      %sub3A_508 = arith.subi %add3A_506, %sub3A_507 : i32
      %add3A_509 = arith.addi %mul3A_2, %sub3A_508 : i32
      %mul3A_510 = arith.constant 64 : i32
      %mul3A_511 = arith.muli %add3A_509, %mul3A_510 : i32
      %multiple_of3A_512 = tpu.assume_multiple %mul3A_511, 64 : i32
      %dma_wait3A_513 = arith.constant 1 : i32
      %dma_wait3A_514 = arith.constant 0 : i32
      %dma_wait3A_515 = arith.constant 0 : i32
      %dma_wait3A_516 = tpu.memref_slice %arg6[%dma_wait3A_513, %dma_wait3A_514, %dma_wait3A_515] : memref<5x64x128xf32, #tpu.memory_space<vmem>> -> memref<1x64x128xf32, #tpu.memory_space<vmem>>
      %dma_wait3A_517 = tpu.memref_squeeze %dma_wait3A_516 : memref<1x64x128xf32, #tpu.memory_space<vmem>> -> memref<64x128xf32, #tpu.memory_space<vmem>>
      %dma_wait3A_518 = arith.constant 0 : i32
      %dma_wait3A_519 = tpu.memref_slice %arg4[%multiple_of3A_512, %dma_wait3A_518] : memref<204800x128xf32, #tpu.memory_space<hbm>> -> memref<64x128xf32, #tpu.memory_space<hbm>>
      %dma_wait3A_520 = arith.constant 0 : i32
      %dma_wait3A_521 = tpu.memref_slice %arg4[%multiple_of3A_512, %dma_wait3A_520] : memref<204800x128xf32, #tpu.memory_space<hbm>> -> memref<64x128xf32, #tpu.memory_space<hbm>>
      %dma_wait3A_522 = arith.constant 0 : i32
      %dma_wait3A_523 = arith.constant 0 : i32
      %dma_wait3A_524 = tpu.memref_slice %arg6[%dma_wait3A_513, %dma_wait3A_522, %dma_wait3A_523] : memref<5x64x128xf32, #tpu.memory_space<vmem>> -> memref<1x64x128xf32, #tpu.memory_space<vmem>>
      %dma_wait3A_525 = tpu.memref_squeeze %dma_wait3A_524 : memref<1x64x128xf32, #tpu.memory_space<vmem>> -> memref<64x128xf32, #tpu.memory_space<vmem>>
      tpu.wait_dma2 semaphore(%arg13 : memref<!tpu.dma_semaphore, #tpu.memory_space<semaphore_mem>>) src(%dma_wait3A_525 : memref<64x128xf32, #tpu.memory_space<vmem>>) dst(%dma_wait3A_521 : memref<64x128xf32, #tpu.memory_space<hbm>>)
      %dma_start3A_526 = arith.constant 1 : i32
      %dma_start3A_527 = arith.constant 0 : i32
      %dma_start3A_528 = arith.constant 0 : i32
      %dma_start3A_529 = tpu.memref_slice %arg6[%dma_start3A_526, %dma_start3A_527, %dma_start3A_528] : memref<5x64x128xf32, #tpu.memory_space<vmem>> -> memref<1x64x128xf32, #tpu.memory_space<vmem>>
      %dma_start3A_530 = tpu.memref_squeeze %dma_start3A_529 : memref<1x64x128xf32, #tpu.memory_space<vmem>> -> memref<64x128xf32, #tpu.memory_space<vmem>>
      %dma_start3A_531 = arith.constant 0 : i32
      %dma_start3A_532 = tpu.memref_slice %arg5[%add3A_506, %dma_start3A_531] : memref<100x64xi32, #tpu.memory_space<vmem>> -> memref<1x64xi32, #tpu.memory_space<vmem>>
      %dma_start3A_533 = tpu.memref_squeeze %dma_start3A_532 : memref<1x64xi32, #tpu.memory_space<vmem>> -> memref<64xi32, #tpu.memory_space<vmem>>
      %dma_start3A_534 = arith.constant 0 : i32
      %dma_start3A_535 = arith.constant 0 : i32
      %dma_start3A_536 = tpu.memref_slice %arg2[%dma_start3A_534, %dma_start3A_535] : memref<100000x128xf32, #tpu.memory_space<hbm>> -> memref<100000x128xf32, #tpu.memory_space<hbm>>
      tpu.enqueue_indirect_dma source(%dma_start3A_536 : memref<100000x128xf32, #tpu.memory_space<hbm>>) target(%dma_start3A_530 : memref<64x128xf32, #tpu.memory_space<vmem>>) offsets(%dma_start3A_533 : memref<64xi32, #tpu.memory_space<vmem>>) semaphore(%arg8 : memref<!tpu.dma_semaphore, #tpu.memory_space<semaphore_mem>>)
      %add3A_537 = arith.constant 1 : i32
      %add3A_538 = arith.addi %scan3A_305, %add3A_537 : i32
      %mul3A_539 = arith.constant 5 : i32
      %mul3A_540 = arith.muli %add3A_538, %mul3A_539 : i32
      %add3A_541 = arith.constant 2 : i32
      %add3A_542 = arith.addi %mul3A_540, %add3A_541 : i32
      %sub3A_543 = arith.constant 5 : i32
      %sub3A_544 = arith.subi %add3A_542, %sub3A_543 : i32
      %add3A_545 = arith.addi %mul3A_2, %sub3A_544 : i32
      %mul3A_546 = arith.constant 64 : i32
      %mul3A_547 = arith.muli %add3A_545, %mul3A_546 : i32
      %multiple_of3A_548 = tpu.assume_multiple %mul3A_547, 64 : i32
      %dma_wait3A_549 = arith.constant 2 : i32
      %dma_wait3A_550 = arith.constant 0 : i32
      %dma_wait3A_551 = arith.constant 0 : i32
      %dma_wait3A_552 = tpu.memref_slice %arg6[%dma_wait3A_549, %dma_wait3A_550, %dma_wait3A_551] : memref<5x64x128xf32, #tpu.memory_space<vmem>> -> memref<1x64x128xf32, #tpu.memory_space<vmem>>
      %dma_wait3A_553 = tpu.memref_squeeze %dma_wait3A_552 : memref<1x64x128xf32, #tpu.memory_space<vmem>> -> memref<64x128xf32, #tpu.memory_space<vmem>>
      %dma_wait3A_554 = arith.constant 0 : i32
      %dma_wait3A_555 = tpu.memref_slice %arg4[%multiple_of3A_548, %dma_wait3A_554] : memref<204800x128xf32, #tpu.memory_space<hbm>> -> memref<64x128xf32, #tpu.memory_space<hbm>>
      %dma_wait3A_556 = arith.constant 0 : i32
      %dma_wait3A_557 = tpu.memref_slice %arg4[%multiple_of3A_548, %dma_wait3A_556] : memref<204800x128xf32, #tpu.memory_space<hbm>> -> memref<64x128xf32, #tpu.memory_space<hbm>>
      %dma_wait3A_558 = arith.constant 0 : i32
      %dma_wait3A_559 = arith.constant 0 : i32
      %dma_wait3A_560 = tpu.memref_slice %arg6[%dma_wait3A_549, %dma_wait3A_558, %dma_wait3A_559] : memref<5x64x128xf32, #tpu.memory_space<vmem>> -> memref<1x64x128xf32, #tpu.memory_space<vmem>>
      %dma_wait3A_561 = tpu.memref_squeeze %dma_wait3A_560 : memref<1x64x128xf32, #tpu.memory_space<vmem>> -> memref<64x128xf32, #tpu.memory_space<vmem>>
      tpu.wait_dma2 semaphore(%arg14 : memref<!tpu.dma_semaphore, #tpu.memory_space<semaphore_mem>>) src(%dma_wait3A_561 : memref<64x128xf32, #tpu.memory_space<vmem>>) dst(%dma_wait3A_557 : memref<64x128xf32, #tpu.memory_space<hbm>>)
      %dma_start3A_562 = arith.constant 2 : i32
      %dma_start3A_563 = arith.constant 0 : i32
      %dma_start3A_564 = arith.constant 0 : i32
      %dma_start3A_565 = tpu.memref_slice %arg6[%dma_start3A_562, %dma_start3A_563, %dma_start3A_564] : memref<5x64x128xf32, #tpu.memory_space<vmem>> -> memref<1x64x128xf32, #tpu.memory_space<vmem>>
      %dma_start3A_566 = tpu.memref_squeeze %dma_start3A_565 : memref<1x64x128xf32, #tpu.memory_space<vmem>> -> memref<64x128xf32, #tpu.memory_space<vmem>>
      %dma_start3A_567 = arith.constant 0 : i32
      %dma_start3A_568 = tpu.memref_slice %arg5[%add3A_542, %dma_start3A_567] : memref<100x64xi32, #tpu.memory_space<vmem>> -> memref<1x64xi32, #tpu.memory_space<vmem>>
      %dma_start3A_569 = tpu.memref_squeeze %dma_start3A_568 : memref<1x64xi32, #tpu.memory_space<vmem>> -> memref<64xi32, #tpu.memory_space<vmem>>
      %dma_start3A_570 = arith.constant 0 : i32
      %dma_start3A_571 = arith.constant 0 : i32
      %dma_start3A_572 = tpu.memref_slice %arg2[%dma_start3A_570, %dma_start3A_571] : memref<100000x128xf32, #tpu.memory_space<hbm>> -> memref<100000x128xf32, #tpu.memory_space<hbm>>
      tpu.enqueue_indirect_dma source(%dma_start3A_572 : memref<100000x128xf32, #tpu.memory_space<hbm>>) target(%dma_start3A_566 : memref<64x128xf32, #tpu.memory_space<vmem>>) offsets(%dma_start3A_569 : memref<64xi32, #tpu.memory_space<vmem>>) semaphore(%arg9 : memref<!tpu.dma_semaphore, #tpu.memory_space<semaphore_mem>>)
      %add3A_573 = arith.constant 1 : i32
      %add3A_574 = arith.addi %scan3A_305, %add3A_573 : i32
      %mul3A_575 = arith.constant 5 : i32
      %mul3A_576 = arith.muli %add3A_574, %mul3A_575 : i32
      %add3A_577 = arith.constant 3 : i32
      %add3A_578 = arith.addi %mul3A_576, %add3A_577 : i32
      %sub3A_579 = arith.constant 5 : i32
      %sub3A_580 = arith.subi %add3A_578, %sub3A_579 : i32
      %add3A_581 = arith.addi %mul3A_2, %sub3A_580 : i32
      %mul3A_582 = arith.constant 64 : i32
      %mul3A_583 = arith.muli %add3A_581, %mul3A_582 : i32
      %multiple_of3A_584 = tpu.assume_multiple %mul3A_583, 64 : i32
      %dma_wait3A_585 = arith.constant 3 : i32
      %dma_wait3A_586 = arith.constant 0 : i32
      %dma_wait3A_587 = arith.constant 0 : i32
      %dma_wait3A_588 = tpu.memref_slice %arg6[%dma_wait3A_585, %dma_wait3A_586, %dma_wait3A_587] : memref<5x64x128xf32, #tpu.memory_space<vmem>> -> memref<1x64x128xf32, #tpu.memory_space<vmem>>
      %dma_wait3A_589 = tpu.memref_squeeze %dma_wait3A_588 : memref<1x64x128xf32, #tpu.memory_space<vmem>> -> memref<64x128xf32, #tpu.memory_space<vmem>>
      %dma_wait3A_590 = arith.constant 0 : i32
      %dma_wait3A_591 = tpu.memref_slice %arg4[%multiple_of3A_584, %dma_wait3A_590] : memref<204800x128xf32, #tpu.memory_space<hbm>> -> memref<64x128xf32, #tpu.memory_space<hbm>>
      %dma_wait3A_592 = arith.constant 0 : i32
      %dma_wait3A_593 = tpu.memref_slice %arg4[%multiple_of3A_584, %dma_wait3A_592] : memref<204800x128xf32, #tpu.memory_space<hbm>> -> memref<64x128xf32, #tpu.memory_space<hbm>>
      %dma_wait3A_594 = arith.constant 0 : i32
      %dma_wait3A_595 = arith.constant 0 : i32
      %dma_wait3A_596 = tpu.memref_slice %arg6[%dma_wait3A_585, %dma_wait3A_594, %dma_wait3A_595] : memref<5x64x128xf32, #tpu.memory_space<vmem>> -> memref<1x64x128xf32, #tpu.memory_space<vmem>>
      %dma_wait3A_597 = tpu.memref_squeeze %dma_wait3A_596 : memref<1x64x128xf32, #tpu.memory_space<vmem>> -> memref<64x128xf32, #tpu.memory_space<vmem>>
      tpu.wait_dma2 semaphore(%arg15 : memref<!tpu.dma_semaphore, #tpu.memory_space<semaphore_mem>>) src(%dma_wait3A_597 : memref<64x128xf32, #tpu.memory_space<vmem>>) dst(%dma_wait3A_593 : memref<64x128xf32, #tpu.memory_space<hbm>>)
      %dma_start3A_598 = arith.constant 3 : i32
      %dma_start3A_599 = arith.constant 0 : i32
      %dma_start3A_600 = arith.constant 0 : i32
      %dma_start3A_601 = tpu.memref_slice %arg6[%dma_start3A_598, %dma_start3A_599, %dma_start3A_600] : memref<5x64x128xf32, #tpu.memory_space<vmem>> -> memref<1x64x128xf32, #tpu.memory_space<vmem>>
      %dma_start3A_602 = tpu.memref_squeeze %dma_start3A_601 : memref<1x64x128xf32, #tpu.memory_space<vmem>> -> memref<64x128xf32, #tpu.memory_space<vmem>>
      %dma_start3A_603 = arith.constant 0 : i32
      %dma_start3A_604 = tpu.memref_slice %arg5[%add3A_578, %dma_start3A_603] : memref<100x64xi32, #tpu.memory_space<vmem>> -> memref<1x64xi32, #tpu.memory_space<vmem>>
      %dma_start3A_605 = tpu.memref_squeeze %dma_start3A_604 : memref<1x64xi32, #tpu.memory_space<vmem>> -> memref<64xi32, #tpu.memory_space<vmem>>
      %dma_start3A_606 = arith.constant 0 : i32
      %dma_start3A_607 = arith.constant 0 : i32
      %dma_start3A_608 = tpu.memref_slice %arg2[%dma_start3A_606, %dma_start3A_607] : memref<100000x128xf32, #tpu.memory_space<hbm>> -> memref<100000x128xf32, #tpu.memory_space<hbm>>
      tpu.enqueue_indirect_dma source(%dma_start3A_608 : memref<100000x128xf32, #tpu.memory_space<hbm>>) target(%dma_start3A_602 : memref<64x128xf32, #tpu.memory_space<vmem>>) offsets(%dma_start3A_605 : memref<64xi32, #tpu.memory_space<vmem>>) semaphore(%arg10 : memref<!tpu.dma_semaphore, #tpu.memory_space<semaphore_mem>>)
      %add3A_609 = arith.constant 1 : i32
      %add3A_610 = arith.addi %scan3A_305, %add3A_609 : i32
      %mul3A_611 = arith.constant 5 : i32
      %mul3A_612 = arith.muli %add3A_610, %mul3A_611 : i32
      %add3A_613 = arith.constant 4 : i32
      %add3A_614 = arith.addi %mul3A_612, %add3A_613 : i32
      %sub3A_615 = arith.constant 5 : i32
      %sub3A_616 = arith.subi %add3A_614, %sub3A_615 : i32
      %add3A_617 = arith.addi %mul3A_2, %sub3A_616 : i32
      %mul3A_618 = arith.constant 64 : i32
      %mul3A_619 = arith.muli %add3A_617, %mul3A_618 : i32
      %multiple_of3A_620 = tpu.assume_multiple %mul3A_619, 64 : i32
      %dma_wait3A_621 = arith.constant 4 : i32
      %dma_wait3A_622 = arith.constant 0 : i32
      %dma_wait3A_623 = arith.constant 0 : i32
      %dma_wait3A_624 = tpu.memref_slice %arg6[%dma_wait3A_621, %dma_wait3A_622, %dma_wait3A_623] : memref<5x64x128xf32, #tpu.memory_space<vmem>> -> memref<1x64x128xf32, #tpu.memory_space<vmem>>
      %dma_wait3A_625 = tpu.memref_squeeze %dma_wait3A_624 : memref<1x64x128xf32, #tpu.memory_space<vmem>> -> memref<64x128xf32, #tpu.memory_space<vmem>>
      %dma_wait3A_626 = arith.constant 0 : i32
      %dma_wait3A_627 = tpu.memref_slice %arg4[%multiple_of3A_620, %dma_wait3A_626] : memref<204800x128xf32, #tpu.memory_space<hbm>> -> memref<64x128xf32, #tpu.memory_space<hbm>>
      %dma_wait3A_628 = arith.constant 0 : i32
      %dma_wait3A_629 = tpu.memref_slice %arg4[%multiple_of3A_620, %dma_wait3A_628] : memref<204800x128xf32, #tpu.memory_space<hbm>> -> memref<64x128xf32, #tpu.memory_space<hbm>>
      %dma_wait3A_630 = arith.constant 0 : i32
      %dma_wait3A_631 = arith.constant 0 : i32
      %dma_wait3A_632 = tpu.memref_slice %arg6[%dma_wait3A_621, %dma_wait3A_630, %dma_wait3A_631] : memref<5x64x128xf32, #tpu.memory_space<vmem>> -> memref<1x64x128xf32, #tpu.memory_space<vmem>>
      %dma_wait3A_633 = tpu.memref_squeeze %dma_wait3A_632 : memref<1x64x128xf32, #tpu.memory_space<vmem>> -> memref<64x128xf32, #tpu.memory_space<vmem>>
      tpu.wait_dma2 semaphore(%arg16 : memref<!tpu.dma_semaphore, #tpu.memory_space<semaphore_mem>>) src(%dma_wait3A_633 : memref<64x128xf32, #tpu.memory_space<vmem>>) dst(%dma_wait3A_629 : memref<64x128xf32, #tpu.memory_space<hbm>>)
      %dma_start3A_634 = arith.constant 4 : i32
      %dma_start3A_635 = arith.constant 0 : i32
      %dma_start3A_636 = arith.constant 0 : i32
      %dma_start3A_637 = tpu.memref_slice %arg6[%dma_start3A_634, %dma_start3A_635, %dma_start3A_636] : memref<5x64x128xf32, #tpu.memory_space<vmem>> -> memref<1x64x128xf32, #tpu.memory_space<vmem>>
      %dma_start3A_638 = tpu.memref_squeeze %dma_start3A_637 : memref<1x64x128xf32, #tpu.memory_space<vmem>> -> memref<64x128xf32, #tpu.memory_space<vmem>>
      %dma_start3A_639 = arith.constant 0 : i32
      %dma_start3A_640 = tpu.memref_slice %arg5[%add3A_614, %dma_start3A_639] : memref<100x64xi32, #tpu.memory_space<vmem>> -> memref<1x64xi32, #tpu.memory_space<vmem>>
      %dma_start3A_641 = tpu.memref_squeeze %dma_start3A_640 : memref<1x64xi32, #tpu.memory_space<vmem>> -> memref<64xi32, #tpu.memory_space<vmem>>
      %dma_start3A_642 = arith.constant 0 : i32
      %dma_start3A_643 = arith.constant 0 : i32
      %dma_start3A_644 = tpu.memref_slice %arg2[%dma_start3A_642, %dma_start3A_643] : memref<100000x128xf32, #tpu.memory_space<hbm>> -> memref<100000x128xf32, #tpu.memory_space<hbm>>
      tpu.enqueue_indirect_dma source(%dma_start3A_644 : memref<100000x128xf32, #tpu.memory_space<hbm>>) target(%dma_start3A_638 : memref<64x128xf32, #tpu.memory_space<vmem>>) offsets(%dma_start3A_641 : memref<64xi32, #tpu.memory_space<vmem>>) semaphore(%arg11 : memref<!tpu.dma_semaphore, #tpu.memory_space<semaphore_mem>>)
    }
    %scan3A_66 = arith.constant 19 : i32
    %dma_wait3A = arith.constant 95 : i32
    %dma_wait3A_67 = arith.constant 0 : i32
    %dma_wait3A_68 = arith.constant 0 : i32
    %dma_wait3A_69 = arith.constant 0 : i32
    %dma_wait3A_70 = tpu.memref_slice %arg6[%dma_wait3A_67, %dma_wait3A_68, %dma_wait3A_69] : memref<5x64x128xf32, #tpu.memory_space<vmem>> -> memref<1x64x128xf32, #tpu.memory_space<vmem>>
    %dma_wait3A_71 = tpu.memref_squeeze %dma_wait3A_70 : memref<1x64x128xf32, #tpu.memory_space<vmem>> -> memref<64x128xf32, #tpu.memory_space<vmem>>
    %dma_wait3A_72 = arith.constant 0 : i32
    %dma_wait3A_73 = tpu.memref_slice %arg5[%dma_wait3A, %dma_wait3A_72] : memref<100x64xi32, #tpu.memory_space<vmem>> -> memref<1x64xi32, #tpu.memory_space<vmem>>
    %dma_wait3A_74 = tpu.memref_squeeze %dma_wait3A_73 : memref<1x64xi32, #tpu.memory_space<vmem>> -> memref<64xi32, #tpu.memory_space<vmem>>
    %dma_wait3A_75 = arith.constant 0 : i32
    %dma_wait3A_76 = arith.constant 0 : i32
    %dma_wait3A_77 = tpu.memref_slice %arg2[%dma_wait3A_75, %dma_wait3A_76] : memref<100000x128xf32, #tpu.memory_space<hbm>> -> memref<100000x128xf32, #tpu.memory_space<hbm>>
    tpu.wait_indirect_dma semaphore(%arg7 : memref<!tpu.dma_semaphore, #tpu.memory_space<semaphore_mem>>) src(%dma_wait3A_77 : memref<100000x128xf32, #tpu.memory_space<hbm>>) dst(%dma_wait3A_71 : memref<64x128xf32, #tpu.memory_space<vmem>>)
    %add3A_78 = arith.constant 95 : i32
    %add3A_79 = arith.addi %mul3A_2, %add3A_78 : i32
    %mul3A_80 = arith.constant 64 : i32
    %mul3A_81 = arith.muli %add3A_79, %mul3A_80 : i32
    %multiple_of3A = tpu.assume_multiple %mul3A_81, 64 : i32
    %dma_start3A_82 = arith.constant 0 : i32
    %dma_start3A_83 = arith.constant 0 : i32
    %dma_start3A_84 = arith.constant 0 : i32
    %dma_start3A_85 = tpu.memref_slice %arg6[%dma_start3A_82, %dma_start3A_83, %dma_start3A_84] : memref<5x64x128xf32, #tpu.memory_space<vmem>> -> memref<1x64x128xf32, #tpu.memory_space<vmem>>
    %dma_start3A_86 = tpu.memref_squeeze %dma_start3A_85 : memref<1x64x128xf32, #tpu.memory_space<vmem>> -> memref<64x128xf32, #tpu.memory_space<vmem>>
    %dma_start3A_87 = arith.constant 0 : i32
    %dma_start3A_88 = tpu.memref_slice %arg4[%multiple_of3A, %dma_start3A_87] : memref<204800x128xf32, #tpu.memory_space<hbm>> -> memref<64x128xf32, #tpu.memory_space<hbm>>
    %dma_start3A_89 = arith.constant 0 : i32
    %dma_start3A_90 = tpu.memref_slice %arg4[%multiple_of3A, %dma_start3A_89] : memref<204800x128xf32, #tpu.memory_space<hbm>> -> memref<64x128xf32, #tpu.memory_space<hbm>>
    %dma_start3A_91 = arith.constant 0 : i32
    %dma_start3A_92 = arith.constant 0 : i32
    %dma_start3A_93 = tpu.memref_slice %arg6[%dma_start3A_82, %dma_start3A_91, %dma_start3A_92] : memref<5x64x128xf32, #tpu.memory_space<vmem>> -> memref<1x64x128xf32, #tpu.memory_space<vmem>>
    %dma_start3A_94 = tpu.memref_squeeze %dma_start3A_93 : memref<1x64x128xf32, #tpu.memory_space<vmem>> -> memref<64x128xf32, #tpu.memory_space<vmem>>
    tpu.enqueue_dma source(%dma_start3A_94 : memref<64x128xf32, #tpu.memory_space<vmem>>) target(%dma_start3A_90 : memref<64x128xf32, #tpu.memory_space<hbm>>) target_semaphore(%arg12 : memref<!tpu.dma_semaphore, #tpu.memory_space<semaphore_mem>>)
    %dma_wait3A_95 = arith.constant 96 : i32
    %dma_wait3A_96 = arith.constant 1 : i32
    %dma_wait3A_97 = arith.constant 0 : i32
    %dma_wait3A_98 = arith.constant 0 : i32
    %dma_wait3A_99 = tpu.memref_slice %arg6[%dma_wait3A_96, %dma_wait3A_97, %dma_wait3A_98] : memref<5x64x128xf32, #tpu.memory_space<vmem>> -> memref<1x64x128xf32, #tpu.memory_space<vmem>>
    %dma_wait3A_100 = tpu.memref_squeeze %dma_wait3A_99 : memref<1x64x128xf32, #tpu.memory_space<vmem>> -> memref<64x128xf32, #tpu.memory_space<vmem>>
    %dma_wait3A_101 = arith.constant 0 : i32
    %dma_wait3A_102 = tpu.memref_slice %arg5[%dma_wait3A_95, %dma_wait3A_101] : memref<100x64xi32, #tpu.memory_space<vmem>> -> memref<1x64xi32, #tpu.memory_space<vmem>>
    %dma_wait3A_103 = tpu.memref_squeeze %dma_wait3A_102 : memref<1x64xi32, #tpu.memory_space<vmem>> -> memref<64xi32, #tpu.memory_space<vmem>>
    %dma_wait3A_104 = arith.constant 0 : i32
    %dma_wait3A_105 = arith.constant 0 : i32
    %dma_wait3A_106 = tpu.memref_slice %arg2[%dma_wait3A_104, %dma_wait3A_105] : memref<100000x128xf32, #tpu.memory_space<hbm>> -> memref<100000x128xf32, #tpu.memory_space<hbm>>
    tpu.wait_indirect_dma semaphore(%arg8 : memref<!tpu.dma_semaphore, #tpu.memory_space<semaphore_mem>>) src(%dma_wait3A_106 : memref<100000x128xf32, #tpu.memory_space<hbm>>) dst(%dma_wait3A_100 : memref<64x128xf32, #tpu.memory_space<vmem>>)
    %add3A_107 = arith.constant 96 : i32
    %add3A_108 = arith.addi %mul3A_2, %add3A_107 : i32
    %mul3A_109 = arith.constant 64 : i32
    %mul3A_110 = arith.muli %add3A_108, %mul3A_109 : i32
    %multiple_of3A_111 = tpu.assume_multiple %mul3A_110, 64 : i32
    %dma_start3A_112 = arith.constant 1 : i32
    %dma_start3A_113 = arith.constant 0 : i32
    %dma_start3A_114 = arith.constant 0 : i32
    %dma_start3A_115 = tpu.memref_slice %arg6[%dma_start3A_112, %dma_start3A_113, %dma_start3A_114] : memref<5x64x128xf32, #tpu.memory_space<vmem>> -> memref<1x64x128xf32, #tpu.memory_space<vmem>>
    %dma_start3A_116 = tpu.memref_squeeze %dma_start3A_115 : memref<1x64x128xf32, #tpu.memory_space<vmem>> -> memref<64x128xf32, #tpu.memory_space<vmem>>
    %dma_start3A_117 = arith.constant 0 : i32
    %dma_start3A_118 = tpu.memref_slice %arg4[%multiple_of3A_111, %dma_start3A_117] : memref<204800x128xf32, #tpu.memory_space<hbm>> -> memref<64x128xf32, #tpu.memory_space<hbm>>
    %dma_start3A_119 = arith.constant 0 : i32
    %dma_start3A_120 = tpu.memref_slice %arg4[%multiple_of3A_111, %dma_start3A_119] : memref<204800x128xf32, #tpu.memory_space<hbm>> -> memref<64x128xf32, #tpu.memory_space<hbm>>
    %dma_start3A_121 = arith.constant 0 : i32
    %dma_start3A_122 = arith.constant 0 : i32
    %dma_start3A_123 = tpu.memref_slice %arg6[%dma_start3A_112, %dma_start3A_121, %dma_start3A_122] : memref<5x64x128xf32, #tpu.memory_space<vmem>> -> memref<1x64x128xf32, #tpu.memory_space<vmem>>
    %dma_start3A_124 = tpu.memref_squeeze %dma_start3A_123 : memref<1x64x128xf32, #tpu.memory_space<vmem>> -> memref<64x128xf32, #tpu.memory_space<vmem>>
    tpu.enqueue_dma source(%dma_start3A_124 : memref<64x128xf32, #tpu.memory_space<vmem>>) target(%dma_start3A_120 : memref<64x128xf32, #tpu.memory_space<hbm>>) target_semaphore(%arg13 : memref<!tpu.dma_semaphore, #tpu.memory_space<semaphore_mem>>)
    %dma_wait3A_125 = arith.constant 97 : i32
    %dma_wait3A_126 = arith.constant 2 : i32
    %dma_wait3A_127 = arith.constant 0 : i32
    %dma_wait3A_128 = arith.constant 0 : i32
    %dma_wait3A_129 = tpu.memref_slice %arg6[%dma_wait3A_126, %dma_wait3A_127, %dma_wait3A_128] : memref<5x64x128xf32, #tpu.memory_space<vmem>> -> memref<1x64x128xf32, #tpu.memory_space<vmem>>
    %dma_wait3A_130 = tpu.memref_squeeze %dma_wait3A_129 : memref<1x64x128xf32, #tpu.memory_space<vmem>> -> memref<64x128xf32, #tpu.memory_space<vmem>>
    %dma_wait3A_131 = arith.constant 0 : i32
    %dma_wait3A_132 = tpu.memref_slice %arg5[%dma_wait3A_125, %dma_wait3A_131] : memref<100x64xi32, #tpu.memory_space<vmem>> -> memref<1x64xi32, #tpu.memory_space<vmem>>
    %dma_wait3A_133 = tpu.memref_squeeze %dma_wait3A_132 : memref<1x64xi32, #tpu.memory_space<vmem>> -> memref<64xi32, #tpu.memory_space<vmem>>
    %dma_wait3A_134 = arith.constant 0 : i32
    %dma_wait3A_135 = arith.constant 0 : i32
    %dma_wait3A_136 = tpu.memref_slice %arg2[%dma_wait3A_134, %dma_wait3A_135] : memref<100000x128xf32, #tpu.memory_space<hbm>> -> memref<100000x128xf32, #tpu.memory_space<hbm>>
    tpu.wait_indirect_dma semaphore(%arg9 : memref<!tpu.dma_semaphore, #tpu.memory_space<semaphore_mem>>) src(%dma_wait3A_136 : memref<100000x128xf32, #tpu.memory_space<hbm>>) dst(%dma_wait3A_130 : memref<64x128xf32, #tpu.memory_space<vmem>>)
    %add3A_137 = arith.constant 97 : i32
    %add3A_138 = arith.addi %mul3A_2, %add3A_137 : i32
    %mul3A_139 = arith.constant 64 : i32
    %mul3A_140 = arith.muli %add3A_138, %mul3A_139 : i32
    %multiple_of3A_141 = tpu.assume_multiple %mul3A_140, 64 : i32
    %dma_start3A_142 = arith.constant 2 : i32
    %dma_start3A_143 = arith.constant 0 : i32
    %dma_start3A_144 = arith.constant 0 : i32
    %dma_start3A_145 = tpu.memref_slice %arg6[%dma_start3A_142, %dma_start3A_143, %dma_start3A_144] : memref<5x64x128xf32, #tpu.memory_space<vmem>> -> memref<1x64x128xf32, #tpu.memory_space<vmem>>
    %dma_start3A_146 = tpu.memref_squeeze %dma_start3A_145 : memref<1x64x128xf32, #tpu.memory_space<vmem>> -> memref<64x128xf32, #tpu.memory_space<vmem>>
    %dma_start3A_147 = arith.constant 0 : i32
    %dma_start3A_148 = tpu.memref_slice %arg4[%multiple_of3A_141, %dma_start3A_147] : memref<204800x128xf32, #tpu.memory_space<hbm>> -> memref<64x128xf32, #tpu.memory_space<hbm>>
    %dma_start3A_149 = arith.constant 0 : i32
    %dma_start3A_150 = tpu.memref_slice %arg4[%multiple_of3A_141, %dma_start3A_149] : memref<204800x128xf32, #tpu.memory_space<hbm>> -> memref<64x128xf32, #tpu.memory_space<hbm>>
    %dma_start3A_151 = arith.constant 0 : i32
    %dma_start3A_152 = arith.constant 0 : i32
    %dma_start3A_153 = tpu.memref_slice %arg6[%dma_start3A_142, %dma_start3A_151, %dma_start3A_152] : memref<5x64x128xf32, #tpu.memory_space<vmem>> -> memref<1x64x128xf32, #tpu.memory_space<vmem>>
    %dma_start3A_154 = tpu.memref_squeeze %dma_start3A_153 : memref<1x64x128xf32, #tpu.memory_space<vmem>> -> memref<64x128xf32, #tpu.memory_space<vmem>>
    tpu.enqueue_dma source(%dma_start3A_154 : memref<64x128xf32, #tpu.memory_space<vmem>>) target(%dma_start3A_150 : memref<64x128xf32, #tpu.memory_space<hbm>>) target_semaphore(%arg14 : memref<!tpu.dma_semaphore, #tpu.memory_space<semaphore_mem>>)
    %dma_wait3A_155 = arith.constant 98 : i32
    %dma_wait3A_156 = arith.constant 3 : i32
    %dma_wait3A_157 = arith.constant 0 : i32
    %dma_wait3A_158 = arith.constant 0 : i32
    %dma_wait3A_159 = tpu.memref_slice %arg6[%dma_wait3A_156, %dma_wait3A_157, %dma_wait3A_158] : memref<5x64x128xf32, #tpu.memory_space<vmem>> -> memref<1x64x128xf32, #tpu.memory_space<vmem>>
    %dma_wait3A_160 = tpu.memref_squeeze %dma_wait3A_159 : memref<1x64x128xf32, #tpu.memory_space<vmem>> -> memref<64x128xf32, #tpu.memory_space<vmem>>
    %dma_wait3A_161 = arith.constant 0 : i32
    %dma_wait3A_162 = tpu.memref_slice %arg5[%dma_wait3A_155, %dma_wait3A_161] : memref<100x64xi32, #tpu.memory_space<vmem>> -> memref<1x64xi32, #tpu.memory_space<vmem>>
    %dma_wait3A_163 = tpu.memref_squeeze %dma_wait3A_162 : memref<1x64xi32, #tpu.memory_space<vmem>> -> memref<64xi32, #tpu.memory_space<vmem>>
    %dma_wait3A_164 = arith.constant 0 : i32
    %dma_wait3A_165 = arith.constant 0 : i32
    %dma_wait3A_166 = tpu.memref_slice %arg2[%dma_wait3A_164, %dma_wait3A_165] : memref<100000x128xf32, #tpu.memory_space<hbm>> -> memref<100000x128xf32, #tpu.memory_space<hbm>>
    tpu.wait_indirect_dma semaphore(%arg10 : memref<!tpu.dma_semaphore, #tpu.memory_space<semaphore_mem>>) src(%dma_wait3A_166 : memref<100000x128xf32, #tpu.memory_space<hbm>>) dst(%dma_wait3A_160 : memref<64x128xf32, #tpu.memory_space<vmem>>)
    %add3A_167 = arith.constant 98 : i32
    %add3A_168 = arith.addi %mul3A_2, %add3A_167 : i32
    %mul3A_169 = arith.constant 64 : i32
    %mul3A_170 = arith.muli %add3A_168, %mul3A_169 : i32
    %multiple_of3A_171 = tpu.assume_multiple %mul3A_170, 64 : i32
    %dma_start3A_172 = arith.constant 3 : i32
    %dma_start3A_173 = arith.constant 0 : i32
    %dma_start3A_174 = arith.constant 0 : i32
    %dma_start3A_175 = tpu.memref_slice %arg6[%dma_start3A_172, %dma_start3A_173, %dma_start3A_174] : memref<5x64x128xf32, #tpu.memory_space<vmem>> -> memref<1x64x128xf32, #tpu.memory_space<vmem>>
    %dma_start3A_176 = tpu.memref_squeeze %dma_start3A_175 : memref<1x64x128xf32, #tpu.memory_space<vmem>> -> memref<64x128xf32, #tpu.memory_space<vmem>>
    %dma_start3A_177 = arith.constant 0 : i32
    %dma_start3A_178 = tpu.memref_slice %arg4[%multiple_of3A_171, %dma_start3A_177] : memref<204800x128xf32, #tpu.memory_space<hbm>> -> memref<64x128xf32, #tpu.memory_space<hbm>>
    %dma_start3A_179 = arith.constant 0 : i32
    %dma_start3A_180 = tpu.memref_slice %arg4[%multiple_of3A_171, %dma_start3A_179] : memref<204800x128xf32, #tpu.memory_space<hbm>> -> memref<64x128xf32, #tpu.memory_space<hbm>>
    %dma_start3A_181 = arith.constant 0 : i32
    %dma_start3A_182 = arith.constant 0 : i32
    %dma_start3A_183 = tpu.memref_slice %arg6[%dma_start3A_172, %dma_start3A_181, %dma_start3A_182] : memref<5x64x128xf32, #tpu.memory_space<vmem>> -> memref<1x64x128xf32, #tpu.memory_space<vmem>>
    %dma_start3A_184 = tpu.memref_squeeze %dma_start3A_183 : memref<1x64x128xf32, #tpu.memory_space<vmem>> -> memref<64x128xf32, #tpu.memory_space<vmem>>
    tpu.enqueue_dma source(%dma_start3A_184 : memref<64x128xf32, #tpu.memory_space<vmem>>) target(%dma_start3A_180 : memref<64x128xf32, #tpu.memory_space<hbm>>) target_semaphore(%arg15 : memref<!tpu.dma_semaphore, #tpu.memory_space<semaphore_mem>>)
    %dma_wait3A_185 = arith.constant 99 : i32
    %dma_wait3A_186 = arith.constant 4 : i32
    %dma_wait3A_187 = arith.constant 0 : i32
    %dma_wait3A_188 = arith.constant 0 : i32
    %dma_wait3A_189 = tpu.memref_slice %arg6[%dma_wait3A_186, %dma_wait3A_187, %dma_wait3A_188] : memref<5x64x128xf32, #tpu.memory_space<vmem>> -> memref<1x64x128xf32, #tpu.memory_space<vmem>>
    %dma_wait3A_190 = tpu.memref_squeeze %dma_wait3A_189 : memref<1x64x128xf32, #tpu.memory_space<vmem>> -> memref<64x128xf32, #tpu.memory_space<vmem>>
    %dma_wait3A_191 = arith.constant 0 : i32
    %dma_wait3A_192 = tpu.memref_slice %arg5[%dma_wait3A_185, %dma_wait3A_191] : memref<100x64xi32, #tpu.memory_space<vmem>> -> memref<1x64xi32, #tpu.memory_space<vmem>>
    %dma_wait3A_193 = tpu.memref_squeeze %dma_wait3A_192 : memref<1x64xi32, #tpu.memory_space<vmem>> -> memref<64xi32, #tpu.memory_space<vmem>>
    %dma_wait3A_194 = arith.constant 0 : i32
    %dma_wait3A_195 = arith.constant 0 : i32
    %dma_wait3A_196 = tpu.memref_slice %arg2[%dma_wait3A_194, %dma_wait3A_195] : memref<100000x128xf32, #tpu.memory_space<hbm>> -> memref<100000x128xf32, #tpu.memory_space<hbm>>
    tpu.wait_indirect_dma semaphore(%arg11 : memref<!tpu.dma_semaphore, #tpu.memory_space<semaphore_mem>>) src(%dma_wait3A_196 : memref<100000x128xf32, #tpu.memory_space<hbm>>) dst(%dma_wait3A_190 : memref<64x128xf32, #tpu.memory_space<vmem>>)
    %add3A_197 = arith.constant 99 : i32
    %add3A_198 = arith.addi %mul3A_2, %add3A_197 : i32
    %mul3A_199 = arith.constant 64 : i32
    %mul3A_200 = arith.muli %add3A_198, %mul3A_199 : i32
    %multiple_of3A_201 = tpu.assume_multiple %mul3A_200, 64 : i32
    %dma_start3A_202 = arith.constant 4 : i32
    %dma_start3A_203 = arith.constant 0 : i32
    %dma_start3A_204 = arith.constant 0 : i32
    %dma_start3A_205 = tpu.memref_slice %arg6[%dma_start3A_202, %dma_start3A_203, %dma_start3A_204] : memref<5x64x128xf32, #tpu.memory_space<vmem>> -> memref<1x64x128xf32, #tpu.memory_space<vmem>>
    %dma_start3A_206 = tpu.memref_squeeze %dma_start3A_205 : memref<1x64x128xf32, #tpu.memory_space<vmem>> -> memref<64x128xf32, #tpu.memory_space<vmem>>
    %dma_start3A_207 = arith.constant 0 : i32
    %dma_start3A_208 = tpu.memref_slice %arg4[%multiple_of3A_201, %dma_start3A_207] : memref<204800x128xf32, #tpu.memory_space<hbm>> -> memref<64x128xf32, #tpu.memory_space<hbm>>
    %dma_start3A_209 = arith.constant 0 : i32
    %dma_start3A_210 = tpu.memref_slice %arg4[%multiple_of3A_201, %dma_start3A_209] : memref<204800x128xf32, #tpu.memory_space<hbm>> -> memref<64x128xf32, #tpu.memory_space<hbm>>
    %dma_start3A_211 = arith.constant 0 : i32
    %dma_start3A_212 = arith.constant 0 : i32
    %dma_start3A_213 = tpu.memref_slice %arg6[%dma_start3A_202, %dma_start3A_211, %dma_start3A_212] : memref<5x64x128xf32, #tpu.memory_space<vmem>> -> memref<1x64x128xf32, #tpu.memory_space<vmem>>
    %dma_start3A_214 = tpu.memref_squeeze %dma_start3A_213 : memref<1x64x128xf32, #tpu.memory_space<vmem>> -> memref<64x128xf32, #tpu.memory_space<vmem>>
    tpu.enqueue_dma source(%dma_start3A_214 : memref<64x128xf32, #tpu.memory_space<vmem>>) target(%dma_start3A_210 : memref<64x128xf32, #tpu.memory_space<hbm>>) target_semaphore(%arg16 : memref<!tpu.dma_semaphore, #tpu.memory_space<semaphore_mem>>)
    %add3A_215 = arith.constant 95 : i32
    %add3A_216 = arith.addi %mul3A_2, %add3A_215 : i32
    %mul3A_217 = arith.constant 64 : i32
    %mul3A_218 = arith.muli %add3A_216, %mul3A_217 : i32
    %multiple_of3A_219 = tpu.assume_multiple %mul3A_218, 64 : i32
    %dma_wait3A_220 = arith.constant 0 : i32
    %dma_wait3A_221 = arith.constant 0 : i32
    %dma_wait3A_222 = arith.constant 0 : i32
    %dma_wait3A_223 = tpu.memref_slice %arg6[%dma_wait3A_220, %dma_wait3A_221, %dma_wait3A_222] : memref<5x64x128xf32, #tpu.memory_space<vmem>> -> memref<1x64x128xf32, #tpu.memory_space<vmem>>
    %dma_wait3A_224 = tpu.memref_squeeze %dma_wait3A_223 : memref<1x64x128xf32, #tpu.memory_space<vmem>> -> memref<64x128xf32, #tpu.memory_space<vmem>>
    %dma_wait3A_225 = arith.constant 0 : i32
    %dma_wait3A_226 = tpu.memref_slice %arg4[%multiple_of3A_219, %dma_wait3A_225] : memref<204800x128xf32, #tpu.memory_space<hbm>> -> memref<64x128xf32, #tpu.memory_space<hbm>>
    %dma_wait3A_227 = arith.constant 0 : i32
    %dma_wait3A_228 = tpu.memref_slice %arg4[%multiple_of3A_219, %dma_wait3A_227] : memref<204800x128xf32, #tpu.memory_space<hbm>> -> memref<64x128xf32, #tpu.memory_space<hbm>>
    %dma_wait3A_229 = arith.constant 0 : i32
    %dma_wait3A_230 = arith.constant 0 : i32
    %dma_wait3A_231 = tpu.memref_slice %arg6[%dma_wait3A_220, %dma_wait3A_229, %dma_wait3A_230] : memref<5x64x128xf32, #tpu.memory_space<vmem>> -> memref<1x64x128xf32, #tpu.memory_space<vmem>>
    %dma_wait3A_232 = tpu.memref_squeeze %dma_wait3A_231 : memref<1x64x128xf32, #tpu.memory_space<vmem>> -> memref<64x128xf32, #tpu.memory_space<vmem>>
    tpu.wait_dma2 semaphore(%arg12 : memref<!tpu.dma_semaphore, #tpu.memory_space<semaphore_mem>>) src(%dma_wait3A_232 : memref<64x128xf32, #tpu.memory_space<vmem>>) dst(%dma_wait3A_228 : memref<64x128xf32, #tpu.memory_space<hbm>>)
    %add3A_233 = arith.constant 96 : i32
    %add3A_234 = arith.addi %mul3A_2, %add3A_233 : i32
    %mul3A_235 = arith.constant 64 : i32
    %mul3A_236 = arith.muli %add3A_234, %mul3A_235 : i32
    %multiple_of3A_237 = tpu.assume_multiple %mul3A_236, 64 : i32
    %dma_wait3A_238 = arith.constant 1 : i32
    %dma_wait3A_239 = arith.constant 0 : i32
    %dma_wait3A_240 = arith.constant 0 : i32
    %dma_wait3A_241 = tpu.memref_slice %arg6[%dma_wait3A_238, %dma_wait3A_239, %dma_wait3A_240] : memref<5x64x128xf32, #tpu.memory_space<vmem>> -> memref<1x64x128xf32, #tpu.memory_space<vmem>>
    %dma_wait3A_242 = tpu.memref_squeeze %dma_wait3A_241 : memref<1x64x128xf32, #tpu.memory_space<vmem>> -> memref<64x128xf32, #tpu.memory_space<vmem>>
    %dma_wait3A_243 = arith.constant 0 : i32
    %dma_wait3A_244 = tpu.memref_slice %arg4[%multiple_of3A_237, %dma_wait3A_243] : memref<204800x128xf32, #tpu.memory_space<hbm>> -> memref<64x128xf32, #tpu.memory_space<hbm>>
    %dma_wait3A_245 = arith.constant 0 : i32
    %dma_wait3A_246 = tpu.memref_slice %arg4[%multiple_of3A_237, %dma_wait3A_245] : memref<204800x128xf32, #tpu.memory_space<hbm>> -> memref<64x128xf32, #tpu.memory_space<hbm>>
    %dma_wait3A_247 = arith.constant 0 : i32
    %dma_wait3A_248 = arith.constant 0 : i32
    %dma_wait3A_249 = tpu.memref_slice %arg6[%dma_wait3A_238, %dma_wait3A_247, %dma_wait3A_248] : memref<5x64x128xf32, #tpu.memory_space<vmem>> -> memref<1x64x128xf32, #tpu.memory_space<vmem>>
    %dma_wait3A_250 = tpu.memref_squeeze %dma_wait3A_249 : memref<1x64x128xf32, #tpu.memory_space<vmem>> -> memref<64x128xf32, #tpu.memory_space<vmem>>
    tpu.wait_dma2 semaphore(%arg13 : memref<!tpu.dma_semaphore, #tpu.memory_space<semaphore_mem>>) src(%dma_wait3A_250 : memref<64x128xf32, #tpu.memory_space<vmem>>) dst(%dma_wait3A_246 : memref<64x128xf32, #tpu.memory_space<hbm>>)
    %add3A_251 = arith.constant 97 : i32
    %add3A_252 = arith.addi %mul3A_2, %add3A_251 : i32
    %mul3A_253 = arith.constant 64 : i32
    %mul3A_254 = arith.muli %add3A_252, %mul3A_253 : i32
    %multiple_of3A_255 = tpu.assume_multiple %mul3A_254, 64 : i32
    %dma_wait3A_256 = arith.constant 2 : i32
    %dma_wait3A_257 = arith.constant 0 : i32
    %dma_wait3A_258 = arith.constant 0 : i32
    %dma_wait3A_259 = tpu.memref_slice %arg6[%dma_wait3A_256, %dma_wait3A_257, %dma_wait3A_258] : memref<5x64x128xf32, #tpu.memory_space<vmem>> -> memref<1x64x128xf32, #tpu.memory_space<vmem>>
    %dma_wait3A_260 = tpu.memref_squeeze %dma_wait3A_259 : memref<1x64x128xf32, #tpu.memory_space<vmem>> -> memref<64x128xf32, #tpu.memory_space<vmem>>
    %dma_wait3A_261 = arith.constant 0 : i32
    %dma_wait3A_262 = tpu.memref_slice %arg4[%multiple_of3A_255, %dma_wait3A_261] : memref<204800x128xf32, #tpu.memory_space<hbm>> -> memref<64x128xf32, #tpu.memory_space<hbm>>
    %dma_wait3A_263 = arith.constant 0 : i32
    %dma_wait3A_264 = tpu.memref_slice %arg4[%multiple_of3A_255, %dma_wait3A_263] : memref<204800x128xf32, #tpu.memory_space<hbm>> -> memref<64x128xf32, #tpu.memory_space<hbm>>
    %dma_wait3A_265 = arith.constant 0 : i32
    %dma_wait3A_266 = arith.constant 0 : i32
    %dma_wait3A_267 = tpu.memref_slice %arg6[%dma_wait3A_256, %dma_wait3A_265, %dma_wait3A_266] : memref<5x64x128xf32, #tpu.memory_space<vmem>> -> memref<1x64x128xf32, #tpu.memory_space<vmem>>
    %dma_wait3A_268 = tpu.memref_squeeze %dma_wait3A_267 : memref<1x64x128xf32, #tpu.memory_space<vmem>> -> memref<64x128xf32, #tpu.memory_space<vmem>>
    tpu.wait_dma2 semaphore(%arg14 : memref<!tpu.dma_semaphore, #tpu.memory_space<semaphore_mem>>) src(%dma_wait3A_268 : memref<64x128xf32, #tpu.memory_space<vmem>>) dst(%dma_wait3A_264 : memref<64x128xf32, #tpu.memory_space<hbm>>)
    %add3A_269 = arith.constant 98 : i32
    %add3A_270 = arith.addi %mul3A_2, %add3A_269 : i32
    %mul3A_271 = arith.constant 64 : i32
    %mul3A_272 = arith.muli %add3A_270, %mul3A_271 : i32
    %multiple_of3A_273 = tpu.assume_multiple %mul3A_272, 64 : i32
    %dma_wait3A_274 = arith.constant 3 : i32
    %dma_wait3A_275 = arith.constant 0 : i32
    %dma_wait3A_276 = arith.constant 0 : i32
    %dma_wait3A_277 = tpu.memref_slice %arg6[%dma_wait3A_274, %dma_wait3A_275, %dma_wait3A_276] : memref<5x64x128xf32, #tpu.memory_space<vmem>> -> memref<1x64x128xf32, #tpu.memory_space<vmem>>
    %dma_wait3A_278 = tpu.memref_squeeze %dma_wait3A_277 : memref<1x64x128xf32, #tpu.memory_space<vmem>> -> memref<64x128xf32, #tpu.memory_space<vmem>>
    %dma_wait3A_279 = arith.constant 0 : i32
    %dma_wait3A_280 = tpu.memref_slice %arg4[%multiple_of3A_273, %dma_wait3A_279] : memref<204800x128xf32, #tpu.memory_space<hbm>> -> memref<64x128xf32, #tpu.memory_space<hbm>>
    %dma_wait3A_281 = arith.constant 0 : i32
    %dma_wait3A_282 = tpu.memref_slice %arg4[%multiple_of3A_273, %dma_wait3A_281] : memref<204800x128xf32, #tpu.memory_space<hbm>> -> memref<64x128xf32, #tpu.memory_space<hbm>>
    %dma_wait3A_283 = arith.constant 0 : i32
    %dma_wait3A_284 = arith.constant 0 : i32
    %dma_wait3A_285 = tpu.memref_slice %arg6[%dma_wait3A_274, %dma_wait3A_283, %dma_wait3A_284] : memref<5x64x128xf32, #tpu.memory_space<vmem>> -> memref<1x64x128xf32, #tpu.memory_space<vmem>>
    %dma_wait3A_286 = tpu.memref_squeeze %dma_wait3A_285 : memref<1x64x128xf32, #tpu.memory_space<vmem>> -> memref<64x128xf32, #tpu.memory_space<vmem>>
    tpu.wait_dma2 semaphore(%arg15 : memref<!tpu.dma_semaphore, #tpu.memory_space<semaphore_mem>>) src(%dma_wait3A_286 : memref<64x128xf32, #tpu.memory_space<vmem>>) dst(%dma_wait3A_282 : memref<64x128xf32, #tpu.memory_space<hbm>>)
    %add3A_287 = arith.constant 99 : i32
    %add3A_288 = arith.addi %mul3A_2, %add3A_287 : i32
    %mul3A_289 = arith.constant 64 : i32
    %mul3A_290 = arith.muli %add3A_288, %mul3A_289 : i32
    %multiple_of3A_291 = tpu.assume_multiple %mul3A_290, 64 : i32
    %dma_wait3A_292 = arith.constant 4 : i32
    %dma_wait3A_293 = arith.constant 0 : i32
    %dma_wait3A_294 = arith.constant 0 : i32
    %dma_wait3A_295 = tpu.memref_slice %arg6[%dma_wait3A_292, %dma_wait3A_293, %dma_wait3A_294] : memref<5x64x128xf32, #tpu.memory_space<vmem>> -> memref<1x64x128xf32, #tpu.memory_space<vmem>>
    %dma_wait3A_296 = tpu.memref_squeeze %dma_wait3A_295 : memref<1x64x128xf32, #tpu.memory_space<vmem>> -> memref<64x128xf32, #tpu.memory_space<vmem>>
    %dma_wait3A_297 = arith.constant 0 : i32
    %dma_wait3A_298 = tpu.memref_slice %arg4[%multiple_of3A_291, %dma_wait3A_297] : memref<204800x128xf32, #tpu.memory_space<hbm>> -> memref<64x128xf32, #tpu.memory_space<hbm>>
    %dma_wait3A_299 = arith.constant 0 : i32
    %dma_wait3A_300 = tpu.memref_slice %arg4[%multiple_of3A_291, %dma_wait3A_299] : memref<204800x128xf32, #tpu.memory_space<hbm>> -> memref<64x128xf32, #tpu.memory_space<hbm>>
    %dma_wait3A_301 = arith.constant 0 : i32
    %dma_wait3A_302 = arith.constant 0 : i32
    %dma_wait3A_303 = tpu.memref_slice %arg6[%dma_wait3A_292, %dma_wait3A_301, %dma_wait3A_302] : memref<5x64x128xf32, #tpu.memory_space<vmem>> -> memref<1x64x128xf32, #tpu.memory_space<vmem>>
    %dma_wait3A_304 = tpu.memref_squeeze %dma_wait3A_303 : memref<1x64x128xf32, #tpu.memory_space<vmem>> -> memref<64x128xf32, #tpu.memory_space<vmem>>
    tpu.wait_dma2 semaphore(%arg16 : memref<!tpu.dma_semaphore, #tpu.memory_space<semaphore_mem>>) src(%dma_wait3A_304 : memref<64x128xf32, #tpu.memory_space<vmem>>) dst(%dma_wait3A_300 : memref<64x128xf32, #tpu.memory_space<hbm>>)
    return
  }
}

</mosaic_0001>

<sc_bundles>
// kernel: kernel.3.cloned.1.call-start
scs
__scs_entry_jumppad:
0x0: {  	(pc) =	sbr.rel $0x88, $3  }
0x1: {  	(tag) =	ssettag $0x0;
	lr =	simm.s32 $0x1  }
0x2: {  	[smem:$0x3F9F] =	sst lr;
	_ =	strace $0xD0000000  }
0x3: {  	_ = 	snop  }
0x4: {  	_ = 	snop  }
0x5: {  	_ = 	snop  }
0x6: {  	_ = 	snop  }
0x7: {  	_ = 	snop  }
__scs_overlays_trampoline_lowered:
0x8: {  	[smem:$0x3FAE] =	sst s0  }
0x9: {  	[smem:$0x3FAF] =	sst s1  }
0xa: {  	[smem:$0x3FB0] =	sst s2  }
0xb: {  	[smem:$0x3FB1] =	sst s3  }
0xc: {  	[smem:$0x3FB2] =	sst s4  }
0xd: {  	[smem:$0x3FB3] =	sst s5  }
0xe: {  	[smem:$0x3FB4] =	sst s6  }
0xf: {  	[smem:$0x3FB5] =	sst s7  }
0x10: {  	[smem:$0x3FB6] =	sst s8  }
0x11: {  	[smem:$0x3FB7] =	sst s9;
	s0 =	simm.s32 @!p0 $0x0  }
0x12: {  	s1 =	sld [smem:$0x3F9D];
	s0 =	simm.s32 @p0 $0x1  }
0x13: {  	[smem:$0x3FB8] =	sst s0;
	s0 =	simm.s32 @!p1 $0x0  }
0x14: {  	s2 =	sld [smem:$0x3F9C];
	s0 =	simm.s32 @p1 $0x1  }
0x15: {  	[smem:$0x3FB9] =	sst s0;
	s0 =	simm.s32 @!p2 $0x0  }
0x16: {  	s3 =	sld [smem:$0x3FDB];
	s0 =	simm.s32 @p2 $0x1  }
0x17: {  	s4 =	simm.s32 $0x1BF5;
	[smem:$0x3FBB] =	sst s0  }
0x18: {  	s0 =	sld [smem:$0x3F9E];
	_ =	swait.ge [sflag:s4], $0x0  }
0x19: {  	s7 =	sld [smem:$0x3F9F]  }
0x1a: {  	s8 =	sadd.s32 $0xFFFFE003, lr  }
0x1b: {  	s9 =	sadd.s32 $0xFFFFFEF7, lr;
	s5 =	simm.s32 $0xFFFFFFFF;
	p2 =	slt.u32 s8, $0xFFFFF086  }
0x1c: {  	p1 =	slt.u32 s9, $0xF7A;
	s5 =	simm.s32 @!p2 $0x0  }
0x1d: {  	s5 =	simm.s32 @p1 $0x1;
	p0 =	seq.s32 s7, s2  }
0x1e: {  	s7 =	smul.u32 @!p0 $0xF7A, s2;
	p2 =	seq.s32 @!p0 s5, $0x0  }
0x1f: {  	s9 =	smul.u32 $0xF7A, s1;
	s8 =	simm.s32 @!p0 $0x1BF5;
	p2 =	por !p2, p0  }
0x20: {  	[sflag:s8] =	ssyncset.s32 @!p0 $0xFFFFF086;
	s6 =	sadd.s32 @!p0 s3, s7;
	s7 =	simm.s32 @!p0 $0x108  }
0x21: {  	s3 =	sadd.s32 s3, s9;
	s6 =	sadd.s32 @!p0 $0x88, s6;
	s7 =	simm.s32 @p2 $0x1082  }
0x22: {  	[simem:s7], [sflag:s8] =	dma.local @!p0 [hbm:s6], $0xF7A  }
0x23: {  	s9 =	sor.u32 $0xD0000000, s2;
	s6 =	simm.s32 $0x108;
	_ =	swait.ge @!p0 [sflag:s8], $0x0  }
0x24: {  	s3 =	sadd.s32 $0x88, s3;
	s6 =	simm.s32 @!p1 $0x1082;
	[sflag:s4] =	ssyncset.s32 $0xFFFFF086  }
0x25: {  	[simem:s6], [sflag:s4] =	dma.local [hbm:s3], $0xF7A  }
0x26: {  	[smem:$0x3F9F] =	sst s1;
	(tag) =	ssettag s2;
	_ =	strace s9  }
0x27: {  	s1 =	sld [smem:$0x3FAF]  }
0x28: {  	s2 =	sld [smem:$0x3FB0]  }
0x29: {  	s4 =	sld [smem:$0x3FB2]  }
0x2a: {  	p0 =	seq.s32 s5, $0x0;
	s5 =	sld [smem:$0x3FB3]  }
0x2b: {  	s6 =	sld [smem:$0x3FB4]  }
0x2c: {  	s7 =	sld [smem:$0x3FB5]  }
0x2d: {  	s3 =	simm.s32 $0x108;
	s8 =	sld [smem:$0x3FB6]  }
0x2e: {  	s3 =	simm.s32 @!p0 $0x1082;
	s9 =	sld [smem:$0x3FB7]  }
0x2f: {  	lr =	sadd.s32 s0, s3;
	s0 =	sld [smem:$0x3FAE]  }
0x30: {  	s3 =	sld [smem:$0x3FB1]  }
0x31: {  	[smem:$0x3FBA] =	sst s10  }
0x32: {  	s10 =	sld [smem:$0x3FB8];
	_ =	sdelay $0x3  }
0x33: {  	p0 =	seq.s32 s10, $0x1;
	s10 =	sld [smem:$0x3FBA];
	_ =	sdelay $0x3  }
0x34: {  	[smem:$0x3FBA] =	sst s10  }
0x35: {  	s10 =	sld [smem:$0x3FB9];
	_ =	sdelay $0x3  }
0x36: {  	p1 =	seq.s32 s10, $0x1;
	s10 =	sld [smem:$0x3FBA];
	_ =	sdelay $0x3  }
0x37: {  	[smem:$0x3FBA] =	sst s10  }
0x38: {  	s10 =	sld [smem:$0x3FBB]  }
0x39: {  	_ = 	snop;
	(pc) =	sbr.ind lr, $3  }
0x3a: {  	_ = 	snop  }
0x3b: {  	_ = 	snop  }
0x3c: {  	p2 =	seq.s32 s10, $0x1;
	s10 =	sld [smem:$0x3FBA]  }
0x3d: {  	_ =	shalt  }
0x3e: {  	_ =	shalt  }
0x3f: {  	_ =	shalt  }
0x40: {  	_ =	shalt  }
0x41: {  	_ =	shalt  }
0x42: {  	_ =	shalt  }
0x43: {  	_ =	shalt  }
0x44: {  	_ =	shalt  }
0x45: {  	_ =	shalt  }
0x46: {  	_ =	shalt  }
0x47: {  	_ =	shalt  }
0x48: {  	_ =	shalt  }
0x49: {  	_ =	shalt  }
0x4a: {  	_ =	shalt  }
0x4b: {  	_ =	shalt  }
0x4c: {  	_ =	shalt  }
0x4d: {  	_ =	shalt  }
0x4e: {  	_ =	shalt  }
0x4f: {  	_ =	shalt  }
0x50: {  	_ =	shalt  }
0x51: {  	_ =	shalt  }
0x52: {  	_ =	shalt  }
0x53: {  	_ =	shalt  }
0x54: {  	_ =	shalt  }
0x55: {  	_ =	shalt  }
0x56: {  	_ =	shalt  }
0x57: {  	_ =	shalt  }
0x58: {  	_ =	shalt  }
0x59: {  	_ =	shalt  }
0x5a: {  	_ =	shalt  }
0x5b: {  	_ =	shalt  }
0x5c: {  	_ =	shalt  }
0x5d: {  	_ =	shalt  }
0x5e: {  	_ =	shalt  }
0x5f: {  	_ =	shalt  }
0x60: {  	_ =	shalt  }
0x61: {  	_ =	shalt  }
0x62: {  	_ =	shalt  }
0x63: {  	_ =	shalt  }
0x64: {  	_ =	shalt  }
0x65: {  	_ =	shalt  }
0x66: {  	_ =	shalt  }
0x67: {  	_ =	shalt  }
0x68: {  	_ =	shalt  }
0x69: {  	_ =	shalt  }
0x6a: {  	_ =	shalt  }
0x6b: {  	_ =	shalt  }
0x6c: {  	_ =	shalt  }
0x6d: {  	_ =	shalt  }
0x6e: {  	_ =	shalt  }
0x6f: {  	_ =	shalt  }
0x70: {  	_ =	shalt  }
0x71: {  	_ =	shalt  }
0x72: {  	_ =	shalt  }
0x73: {  	_ =	shalt  }
0x74: {  	_ =	shalt  }
0x75: {  	_ =	shalt  }
0x76: {  	_ =	shalt  }
0x77: {  	_ =	shalt  }
0x78: {  	_ =	shalt  }
0x79: {  	_ =	shalt  }
0x7a: {  	_ =	shalt  }
0x7b: {  	_ =	shalt  }
0x7c: {  	_ =	shalt  }
0x7d: {  	_ =	shalt  }
0x7e: {  	_ =	shalt  }
0x7f: {  	_ =	shalt  }
0x80: {  	_ =	shalt  }
0x81: {  	_ =	shalt  }
0x82: {  	_ =	shalt  }
0x83: {  	_ =	shalt  }
0x84: {  	_ =	shalt  }
0x85: {  	_ =	shalt  }
0x86: {  	_ =	shalt  }
0x87: {  	_ =	shalt  }
.Lfunc_end0:
.L_simem_size_0:
called_computation_lowered:
.L_overlay_start_0:
0x88: {  	s2 =	sld [smem:$0x3FD9]  }
0x89: {  	s3 =	sld [smem:$0x3FFE];
	_ =	sdelay $0x1  }
0x8a: {  	s1 =	srdreg.scid  }
0x8b: {  	s0 =	sand.u32 $0x1, s1  }
0x8c: {  	s17 =	sshll.u32 s0, $0xA;
	s2 =	sadd.s32 s3, s2  }
0x8d: {  	s2 =	sadd.s32 s2, s17  }
0x8e: {  	[smem:$0x3FC6] =	sst s2  }
0x8f: {  	_ = 	snop  }
0x90: {  	s2 =	sld [smem:$0x3FC9]  }
0x91: {  	s18 =	sld [smem:$0x3FD0];
	(tm) =	ssettm $0x1  }
0x92: {  	s4 =	sld [smem:$0x3FFB];
	_ =	sdelay $0x3  }
0x93: {  	_ =	strace s4  }
0x94: {  	s4 =	sld [smem:$0x3FFC];
	_ =	sdelay $0x3  }
0x95: {  	_ =	strace s4  }
0x96: {  	s4 =	sld [smem:$0x3FFD];
	_ =	sdelay $0x3  }
0x97: {  	_ =	strace s4  }
0x98: {  	_ =	strace $0x8FFFFFFF  }
0x99: {  	s19 =	sld [smem:$0x3FDB];
	_ =	sdelay $0x1  }
0x9a: {  	s5 =	simm.s32 $_scs_section_size  }
0x9b: {  	s6 =	simm.s32 $_size__tile_overlayer_lowered;
	s7 =	simm.s32 $_tile_overlayer_lowered  }
0x9c: {  	s22 =	simm.s32 $0x1BFF;
	s21 =	sshll.u32 s7, $0x1;
	s4 =	sadd.s32 s5, s19  }
0x9d: {  	s8 =	simm.s32 $0x0;
	s20 =	sshll.u32 s6, $0x1;
	s6 =	sadd.s32 s21, s4  }
0x9e: {  	[timem:s8], [sflag:s22] =	dma.local [hbm:s6], s20  }
0x9f: {  	_ =	swait.ge [sflag:s22], s20  }
0xa0: {  	s5 =	ssub.s32 $0x0, s20;
	[sflag:s22] =	ssyncset.done $0x0  }
0xa1: {  	[sflag:s22] =	ssyncadd.s32 s5;
	_ =	sdelay $0x1  }
0xa2: {  	s23 =	simm.s32 $0x1B8B  }
0xa3: {  	_ =	swait.ge [sflag:s23], $0x1  }
0xa4: {  	[sflag:s23] =	ssyncset.done $0x0  }
0xa5: {  	s25 =	simm.s32 $0x1B8E;
	s24 =	sld [smem:$0x3FFE];
	[sflag:s23] =	ssyncadd.s32 $0xFFFFFFFF  }
0xa6: {  	s26 =	simm.s32 $execute0_lowered;
	[smem:$0x3FD2] =	sst s25  }
0xa7: {  	s6 =	sshll.u32 s26, $0x1;
	_ =	strace $0x80000046;
	[dreg:$0x1] =	wrdreg $0xFFFFFFFF  }
0xa8: {  	s28 =	simm.s32 $_size_execute0_lowered;
	s4 =	sadd.s32 s4, s6;
	[dreg:$0x0] =	wrdreg $0x0  }
0xa9: {  	s6 =	sshll.u32 s28, $0x1;
	[dreg:$0x2] =	wrdreg s4  }
0xaa: {  	[dreg:$0x3] =	wrdreg s6  }
0xab: {  	[dreg:$0x4] =	wrdreg $0xC0  }
0xac: {  	_ =	task [dreg:s8], $0x5FFFF  }
0xad: {  	[dreg:$0x1] =	wrdreg $0xFFFFFFFF  }
0xae: {  	[dreg:$0x0] =	wrdreg $0x60  }
0xaf: {  	[dreg:$0x2] =	wrdreg s2  }
0xb0: {  	[dreg:$0x3] =	wrdreg s24  }
0xb1: {  	[dreg:$0x4] =	wrdreg s18  }
0xb2: {  	[dreg:$0x5] =	wrdreg $0x9  }
0xb3: {  	_ =	task.clear_ibuf [dreg:s8], $0x6FFFF;
	_ =	strace $0x90000046  }
0xb4: {  	s29 =	simm.s32 $0x9;
	_ =	strace $0x80000048  }
0xb5: {  	_ =	swait.ge [sflag:s29], $0x1  }
0xb6: {  	[sflag:s29] =	ssyncadd.s32 $0xFFFFFFFF  }
0xb7: {  	_ =	strace $0x90000048  }
0xb8: {  	_ =	sfence  }
0xb9: {  	s30 =	sld [smem:$0x0];
	_ =	sdelay $0x2  }
0xba: {  	s31 =	sshll.u32 s1, $0xD;
	s1 =	sshrl.u32 s1, $0x2  }
0xbb: {  	s3 =	sand.u32 $0x4000, s31;
	s1 =	sadd.s32 s1, s30  }
0xbc: {  	s0 =	sor.u32 s3, s0;
	s1 =	sshll.u32 s1, $0x11  }
0xbd: {  	s0 =	sor.u32 s1, s0  }
0xbe: {  	s0 =	sadd.s32 $0x8F2B, s0  }
0xbf: {  	[sflag:s0] =	ssyncadd.remote.s32 $0x1  }
0xc0: {  	_ =	sfence.sel $0xFFFF  }
0xc1: {  	[dreg:$0x0] =	wrdreg $0xFFFFFFFF;
	(pc) =	sbr.abs _section_cstart, $3  }
0xc2: {  	[dreg:$0x1] =	wrdreg $0xFFFFFFFF  }
0xc3: {  	_ =	task.clear_ibuf [dreg:s8], $0x2FFFF;
	_ =	strace $0x9FFFFFFF  }
0xc4: {  	(tm) =	ssettm $0x7FFFFFFF  }
0xc5: {  	_ =	shalt  }
tec
execute0_lowered:
.L_overlay_start_1:
0x0: {  	(tag) =	ssettag $0x1  }
0x1: {  	s1 =	rddreg [dreg:$0x0]  }
0x2: {  	s0 =	srdreg.scid;
	s2 =	rddreg [dreg:$0x1]  }
0x3: {  	s10 =	stileid.u32;
	s4 =	rddreg [dreg:$0x2];
	s14 =	simm.s32 $0xB  }
0x4: {  	s15 =	simm.s32 $0x40;
	s16 =	simm.s32 $0x3400;
	s18 =	simm.s32 $0x5400  }
0x5: {  	s28 =	simm.s32 $0x3;
	s29 =	simm.s32 $0x4;
	s7 =	smul.u32 $0xC8, s10  }
0x6: {  	s30 =	simm.s32 $0x5;
	s0 =	sand.u32 $0x1, s0;
	s26 =	smul.u32 $0x32000, s10  }
0x7: {  	s31 =	simm.s32 $0x6;
	s3 =	sshll.u32 s10, $0x1;
	s9 =	smul.u32 $0x64, s0  }
0x8: {  	s5 =	sor.u32 s0, s3;
	s20 =	ssub.s32 $0x2, s0;
	s0 =	smul.u32 $0x19000, s0  }
0x9: {  	s17 =	simm.s32 $0x9;
	s3 =	simm.s32 $0x0;
	s6 =	smul.u32 $0x680, s5  }
0xa: {  	s19 =	simm.s32 $0xA;
	[smem:$0x7FF] =	sst s3;
	s5 =	smul.u32 $0xC8000, s5  }
0xb: {  	s8 =	sshrl.u32 s20, $0x1;
	_ =	strace $0x80000047;
	s24 =	sadd.s32 s9, s7  }
0xc: {  	s2 =	sadd.s32 s6, s2;
	s5 =	sshrl.u32 s5, $0x3;
	s6 =	ssub.s32 s20, s8  }
0xd: {  	s20 =	simm.s32 $0x7400;
	s5 =	sadd.s32 s4, s5;
	s2 =	sadd.s32 $0x400, s2  }
0xe: {  	s10 =	smax.u32 s6, $0x1;
	[dreg:$0x4] =	wrdreg s2;
	s21 =	sadd.s32 $0x17C00, s5  }
0xf: {  	s22 =	sadd.s32 $0x18000, s5;
	s23 =	sadd.s32 $0x18400, s5;
	[dreg:$0x5] =	wrdreg s21  }
0x10: {  	s25 =	sadd.s32 $0x18800, s5;
	s2 =	sshll.u32 s24, $0xA;
	[dreg:$0x6] =	wrdreg s22  }
0x11: {  	s9 =	sadd.s32 $0x18C00, s5;
	s24 =	simm.s32 $0xB400;
	[dreg:$0x7] =	wrdreg s23  }
0x12: {  	[dreg:$0x8] =	wrdreg s25;
	s2 =	sadd.s32 s2, s4;
	s4 =	sadd.s32 s26, s4  }
0x13: {  	s22 =	simm.s32 $0x9400;
	s25 =	simm.s32 $0x1;
	s26 =	simm.s32 $0x2  }
0x14: {  	s21 =	simm.s32 $0x0;
	s11 =	sadd.s32 $0x1000, s2;
	s12 =	sadd.s32 $0xC00, s2  }
0x15: {  	s13 =	sadd.s32 s0, s4;
	s2 =	simm.s32 $0x7;
	s0 =	simm.s32 $0x8  }
.LBB2_1:
0x16: {  	s4 =	rddreg [dreg:$0x4]  }
0x17: {  	[tilespmem:s3], [sflag:$0xB] =	stream.linear.gather [hbm4b:s4+s3], $0x3200, $0x38;
	[tilespmem:$0xD400] =	vst v63  }
0x18: {  	_ =	swait.ge [sflag:s14], $0x3200  }
0x19: {  	[sflag:s14] =	ssyncset.done $0x0  }
0x1a: {  	[sflag:s14] =	ssyncadd.s32 $0xFFFFCE00  }
0x1b: {  	[tilespmem:s16], [sflag:$0x1] =	stream.indirect.gather [hbm4b:s1+s15], $0x80, s3, s15, $0xb8;
	[tilespmem:$0xD400] =	vst v63  }
0x1c: {  	s5 =	simm.s32 $0x80  }
0x1d: {  	[tilespmem:s18], [sflag:$0x2] =	stream.indirect.gather [hbm4b:s1+s15], $0x80, s5, s15, $0xb8;
	[tilespmem:$0xD400] =	vst v63  }
0x1e: {  	s6 =	simm.s32 $0x100  }
0x1f: {  	[tilespmem:s20], [sflag:$0x3] =	stream.indirect.gather [hbm4b:s1+s15], $0x80, s6, s15, $0xb8;
	[tilespmem:$0xD400] =	vst v63  }
0x20: {  	s7 =	simm.s32 $0x180  }
0x21: {  	[tilespmem:s22], [sflag:$0x4] =	stream.indirect.gather [hbm4b:s1+s15], $0x80, s7, s15, $0xb8;
	[tilespmem:$0xD400] =	vst v63  }
0x22: {  	s8 =	simm.s32 $0x200  }
0x23: {  	[tilespmem:s24], [sflag:$0x5] =	stream.indirect.gather [hbm4b:s1+s15], $0x80, s8, s15, $0xb8;
	[tilespmem:$0xD400] =	vst v63  }
0x24: {  	_ =	swait.ge [sflag:s25], $0x2000  }
0x25: {  	[sflag:s25] =	ssyncset.done $0x0  }
0x26: {  	[sflag:s25] =	ssyncadd.s32 $0xFFFFE000  }
0x27: {  	[hbm4b:s13+s3] =	stream.linear.scatter [tilespmem:s16], [sflag:$0x6], $0x2000, $0x38;
	[tilespmem:$0xD400] =	vst v63  }
0x28: {  	_ =	swait.ge [sflag:s26], $0x2000  }
0x29: {  	[sflag:s26] =	ssyncset.done $0x0  }
0x2a: {  	s23 =	sadd.s32 $0xFFFFF800, s12;
	[sflag:s26] =	ssyncadd.s32 $0xFFFFE000  }
0x2b: {  	[hbm4b:s23+s3] =	stream.linear.scatter [tilespmem:s18], [sflag:$0x7], $0x2000, $0x38;
	[tilespmem:$0xD400] =	vst v63  }
0x2c: {  	_ =	swait.ge [sflag:s28], $0x2000  }
0x2d: {  	[sflag:s28] =	ssyncset.done $0x0  }
0x2e: {  	s5 =	sadd.s32 $0xFFFFFC00, s12;
	[sflag:s28] =	ssyncadd.s32 $0xFFFFE000  }
0x2f: {  	[hbm4b:s5+s3] =	stream.linear.scatter [tilespmem:s20], [sflag:$0x8], $0x2000, $0x38;
	[tilespmem:$0xD400] =	vst v63  }
0x30: {  	_ =	swait.ge [sflag:s29], $0x2000  }
0x31: {  	[sflag:s29] =	ssyncset.done $0x0  }
0x32: {  	[sflag:s29] =	ssyncadd.s32 $0xFFFFE000  }
0x33: {  	[hbm4b:s12+s3] =	stream.linear.scatter [tilespmem:s22], [sflag:$0x9], $0x2000, $0x38;
	[tilespmem:$0xD400] =	vst v63  }
0x34: {  	_ =	swait.ge [sflag:s30], $0x2000  }
0x35: {  	[sflag:s30] =	ssyncset.done $0x0  }
0x36: {  	[sflag:s30] =	ssyncadd.s32 $0xFFFFE000  }
0x37: {  	[hbm4b:s11+s3] =	stream.linear.scatter [tilespmem:s24], [sflag:$0xA], $0x2000, $0x38;
	[tilespmem:$0xD400] =	vst v63  }
0x38: {  	_ =	swait.ge [sflag:s31], $0x2000  }
0x39: {  	[sflag:s31] =	ssyncset.done $0x0  }
0x3a: {  	s6 =	simm.s32 $0x280;
	[sflag:s31] =	ssyncadd.s32 $0xFFFFE000  }
0x3b: {  	[tilespmem:s16], [sflag:$0x1] =	stream.indirect.gather [hbm4b:s1+s15], $0x80, s6, s15, $0xb8;
	[tilespmem:$0xD400] =	vst v63  }
0x3c: {  	_ =	swait.ge [sflag:s2], $0x2000  }
0x3d: {  	[sflag:s2] =	ssyncset.done $0x0  }
0x3e: {  	s7 =	simm.s32 $0x300;
	[sflag:s2] =	ssyncadd.s32 $0xFFFFE000  }
0x3f: {  	[tilespmem:s18], [sflag:$0x2] =	stream.indirect.gather [hbm4b:s1+s15], $0x80, s7, s15, $0xb8;
	[tilespmem:$0xD400] =	vst v63  }
0x40: {  	_ =	swait.ge [sflag:s0], $0x2000  }
0x41: {  	[sflag:s0] =	ssyncset.done $0x0  }
0x42: {  	s8 =	simm.s32 $0x380;
	[sflag:s0] =	ssyncadd.s32 $0xFFFFE000  }
0x43: {  	[tilespmem:s20], [sflag:$0x3] =	stream.indirect.gather [hbm4b:s1+s15], $0x80, s8, s15, $0xb8;
	[tilespmem:$0xD400] =	vst v63  }
0x44: {  	_ =	swait.ge [sflag:s17], $0x2000  }
0x45: {  	[sflag:s17] =	ssyncset.done $0x0  }
0x46: {  	s23 =	simm.s32 $0x400;
	[sflag:s17] =	ssyncadd.s32 $0xFFFFE000  }
0x47: {  	[tilespmem:s22], [sflag:$0x4] =	stream.indirect.gather [hbm4b:s1+s15], $0x80, s23, s15, $0xb8;
	[tilespmem:$0xD400] =	vst v63  }
0x48: {  	s4 =	sadd.s32 $0x1400, s12;
	_ =	swait.ge [sflag:s19], $0x2000  }
0x49: {  	s5 =	sadd.s32 $0x1400, s13;
	s6 =	sadd.s32 $0x1400, s11;
	[sflag:s19] =	ssyncset.done $0x0  }
0x4a: {  	s7 =	simm.s32 $0x480;
	s23 =	simm.s32 $0xA00;
	[sflag:s19] =	ssyncadd.s32 $0xFFFFE000  }
.LBB2_2:
0x4b: {  	[tilespmem:s24], [sflag:$0x5] =	stream.indirect.gather [hbm4b:s1+s15], $0x80, s7, s15, $0xb8;
	[tilespmem:$0xD400] =	vst v63  }
0x4c: {  	s7 =	smov.u32 s23  }
0x4d: {  	p0 =	sne.s32 s23, $0xB400;
	s23 =	sadd.s32 $0xA00, s23;
	_ =	swait.ge [sflag:s25], $0x2000  }
0x4e: {  	[sflag:s25] =	ssyncset.done $0x0  }
0x4f: {  	[sflag:s25] =	ssyncadd.s32 $0xFFFFE000  }
0x50: {  	[hbm4b:s5+s3] =	stream.linear.scatter [tilespmem:s16], [sflag:$0x6], $0x2000, $0x38;
	[tilespmem:$0xD400] =	vst v63  }
0x51: {  	_ =	swait.ge [sflag:s26], $0x2000  }
0x52: {  	[sflag:s26] =	ssyncset.done $0x0  }
0x53: {  	s8 =	sadd.s32 $0xFFFFF800, s4;
	[sflag:s26] =	ssyncadd.s32 $0xFFFFE000  }
0x54: {  	[hbm4b:s8+s3] =	stream.linear.scatter [tilespmem:s18], [sflag:$0x7], $0x2000, $0x38;
	[tilespmem:$0xD400] =	vst v63  }
0x55: {  	_ =	swait.ge [sflag:s28], $0x2000  }
0x56: {  	[sflag:s28] =	ssyncset.done $0x0  }
0x57: {  	s8 =	sadd.s32 $0xFFFFFC00, s4;
	[sflag:s28] =	ssyncadd.s32 $0xFFFFE000  }
0x58: {  	[hbm4b:s8+s3] =	stream.linear.scatter [tilespmem:s20], [sflag:$0x8], $0x2000, $0x38;
	[tilespmem:$0xD400] =	vst v63  }
0x59: {  	_ =	swait.ge [sflag:s29], $0x2000  }
0x5a: {  	[sflag:s29] =	ssyncset.done $0x0  }
0x5b: {  	[sflag:s29] =	ssyncadd.s32 $0xFFFFE000  }
0x5c: {  	[hbm4b:s4+s3] =	stream.linear.scatter [tilespmem:s22], [sflag:$0x9], $0x2000, $0x38;
	[tilespmem:$0xD400] =	vst v63  }
0x5d: {  	_ =	swait.ge [sflag:s30], $0x2000  }
0x5e: {  	[sflag:s30] =	ssyncset.done $0x0  }
0x5f: {  	[sflag:s30] =	ssyncadd.s32 $0xFFFFE000  }
0x60: {  	[hbm4b:s6+s3] =	stream.linear.scatter [tilespmem:s24], [sflag:$0xA], $0x2000, $0x38;
	[tilespmem:$0xD400] =	vst v63  }
0x61: {  	_ =	swait.ge [sflag:s31], $0x2000  }
0x62: {  	s7 =	sshra.s32 s7, $0x2;
	[sflag:s31] =	ssyncset.done $0x0  }
0x63: {  	s8 =	sadd.s32 $0x280, s7;
	[sflag:s31] =	ssyncadd.s32 $0xFFFFE000  }
0x64: {  	[tilespmem:s16], [sflag:$0x1] =	stream.indirect.gather [hbm4b:s1+s15], $0x80, s8, s15, $0xb8;
	[tilespmem:$0xD400] =	vst v63  }
0x65: {  	_ =	swait.ge [sflag:s2], $0x2000  }
0x66: {  	[sflag:s2] =	ssyncset.done $0x0  }
0x67: {  	s8 =	sadd.s32 $0x300, s7;
	[sflag:s2] =	ssyncadd.s32 $0xFFFFE000  }
0x68: {  	[tilespmem:s18], [sflag:$0x2] =	stream.indirect.gather [hbm4b:s1+s15], $0x80, s8, s15, $0xb8;
	[tilespmem:$0xD400] =	vst v63  }
0x69: {  	_ =	swait.ge [sflag:s0], $0x2000  }
0x6a: {  	[sflag:s0] =	ssyncset.done $0x0  }
0x6b: {  	s8 =	sadd.s32 $0x380, s7;
	[sflag:s0] =	ssyncadd.s32 $0xFFFFE000  }
0x6c: {  	[tilespmem:s20], [sflag:$0x3] =	stream.indirect.gather [hbm4b:s1+s15], $0x80, s8, s15, $0xb8;
	[tilespmem:$0xD400] =	vst v63  }
0x6d: {  	_ =	swait.ge [sflag:s17], $0x2000  }
0x6e: {  	[sflag:s17] =	ssyncset.done $0x0  }
.Ltmp0:
0x6f: {  	s8 =	sadd.s32 $0x400, s7;
	[sflag:s17] =	ssyncadd.s32 $0xFFFFE000;
	(pc) =	sbr.rel @p0 .LBB2_2-.Ltmp0, $4  }
0x70: {  	[tilespmem:s22], [sflag:$0x4] =	stream.indirect.gather [hbm4b:s1+s15], $0x80, s8, s15, $0xb8;
	[tilespmem:$0xD400] =	vst v63  }
0x71: {  	_ =	swait.ge [sflag:s19], $0x2000  }
0x72: {  	s5 =	sadd.s32 $0x1400, s5;
	s4 =	sadd.s32 $0x1400, s4;
	[sflag:s19] =	ssyncset.done $0x0  }
0x73: {  	s6 =	sadd.s32 $0x1400, s6;
	s7 =	sadd.s32 $0x480, s7;
	[sflag:s19] =	ssyncadd.s32 $0xFFFFE000  }
0x74: {  	[tilespmem:s24], [sflag:$0x5] =	stream.indirect.gather [hbm4b:s1+s15], $0x80, s7, s15, $0xb8;
	[tilespmem:$0xD400] =	vst v63  }
0x75: {  	_ =	swait.ge [sflag:s25], $0x2000  }
0x76: {  	[sflag:s25] =	ssyncset.done $0x0  }
0x77: {  	s4 =	rddreg [dreg:$0x5];
	[sflag:s25] =	ssyncadd.s32 $0xFFFFE000  }
0x78: {  	[hbm4b:s4+s3] =	stream.linear.scatter [tilespmem:s16], [sflag:$0x6], $0x2000, $0x38;
	[tilespmem:$0xD400] =	vst v63  }
0x79: {  	_ =	swait.ge [sflag:s26], $0x2000  }
0x7a: {  	[sflag:s26] =	ssyncset.done $0x0  }
0x7b: {  	s7 =	rddreg [dreg:$0x6];
	[sflag:s26] =	ssyncadd.s32 $0xFFFFE000  }
0x7c: {  	[hbm4b:s7+s3] =	stream.linear.scatter [tilespmem:s18], [sflag:$0x7], $0x2000, $0x38;
	[tilespmem:$0xD400] =	vst v63  }
0x7d: {  	_ =	swait.ge [sflag:s28], $0x2000  }
0x7e: {  	[sflag:s28] =	ssyncset.done $0x0  }
0x7f: {  	s8 =	rddreg [dreg:$0x7];
	[sflag:s28] =	ssyncadd.s32 $0xFFFFE000  }
0x80: {  	[hbm4b:s8+s3] =	stream.linear.scatter [tilespmem:s20], [sflag:$0x8], $0x2000, $0x38;
	[tilespmem:$0xD400] =	vst v63  }
0x81: {  	_ =	swait.ge [sflag:s29], $0x2000  }
0x82: {  	[sflag:s29] =	ssyncset.done $0x0  }
0x83: {  	s23 =	rddreg [dreg:$0x8];
	[sflag:s29] =	ssyncadd.s32 $0xFFFFE000  }
0x84: {  	[hbm4b:s23+s3] =	stream.linear.scatter [tilespmem:s22], [sflag:$0x9], $0x2000, $0x38;
	[tilespmem:$0xD400] =	vst v63  }
0x85: {  	_ =	swait.ge [sflag:s30], $0x2000  }
0x86: {  	[sflag:s30] =	ssyncset.done $0x0  }
0x87: {  	[sflag:s30] =	ssyncadd.s32 $0xFFFFE000  }
0x88: {  	[hbm4b:s9+s3] =	stream.linear.scatter [tilespmem:s24], [sflag:$0xA], $0x2000, $0x38;
	[tilespmem:$0xD400] =	vst v63  }
0x89: {  	_ =	swait.ge [sflag:s31], $0x2000  }
0x8a: {  	[sflag:s31] =	ssyncset.done $0x0  }
0x8b: {  	[sflag:s31] =	ssyncadd.s32 $0xFFFFE000  }
0x8c: {  	_ =	swait.ge [sflag:s2], $0x2000  }
0x8d: {  	[sflag:s2] =	ssyncset.done $0x0  }
0x8e: {  	[sflag:s2] =	ssyncadd.s32 $0xFFFFE000  }
0x8f: {  	_ =	swait.ge [sflag:s0], $0x2000  }
0x90: {  	[sflag:s0] =	ssyncset.done $0x0  }
0x91: {  	s21 =	sadd.s32 $0x1, s21;
	[sflag:s0] =	ssyncadd.s32 $0xFFFFE000  }
0x92: {  	p0 =	sne.s32 s21, s10;
	_ =	swait.ge [sflag:s17], $0x2000  }
.Ltmp1:
0x93: {  	[sflag:s17] =	ssyncset.done $0x0;
	(pc) =	sbr.rel @p0 .LBB2_1-.Ltmp1, $4  }
0x94: {  	[sflag:s17] =	ssyncadd.s32 $0xFFFFE000  }
0x95: {  	_ =	swait.ge [sflag:s19], $0x2000  }
0x96: {  	[sflag:s19] =	ssyncset.done $0x0  }
0x97: {  	[sflag:s19] =	ssyncadd.s32 $0xFFFFE000  }
0x98: {  	_ =	sfence.sel $0x180000  }
0x99: {  	[bflag:$0x0] =	sbarrier.arrive $0xFFFF  }
0x9a: {  	_ =	strace $0x90000047  }
0x9b: {  	s0 =	stileid.u32;
	[bflag:$0x2] =	sbarrier.arrive $0xFFFF  }
0x9c: {  	p0 =	sne.s32 s0, $0x0;
	s0 =	rddreg [dreg:$0x3]  }
0x9d: {  	s0 =	sadd.s32 @!p0 $0x100000, s0  }
0x9e: {  	[sflag:s0] =	ssyncadd.tile.s32 @!p0 $0x1;
	_ =	shalt  }
.Lfunc_end2:
_tile_overlayer_lowered:
.L_overlay_start_2:
0x9f: {  	(tag) =	ssettag $0x2  }
0xa0: {  	s0 =	rddreg [dreg:$0x0];
	s2 =	stileid.u32  }
0xa1: {  	s1 =	rddreg [dreg:$0x1];
	p0 =	sne.s32 s2, $0x0  }
0xa2: {  	s3 =	rddreg [dreg:$0x2];
	[bflag:$0x3] =	sbarrier.arrive $0xFFFF;
	s2 =	simm.s32 @!p0 $0x1C0B  }
0xa3: {  	[timem:s3], [sflag:s2] =	dma.local @!p0 [hbm:s0], s1  }
0xa4: {  	s0 =	simm.s32 @!p0 $0xB  }
0xa5: {  	_ =	swait.ge @!p0 [sflag:s0], s1  }
0xa6: {  	s1 =	ssub.s32 @!p0 $0x0, s1;
	[sflag:s0] =	ssyncset.done @!p0 $0x0  }
0xa7: {  	[sflag:s0] =	ssyncadd.s32 @!p0 s1  }
0xa8: {  	[bflag:$0x3] =	sbarrier.arrive $0xFFFF  }
0xa9: {  	_ =	shalt  }

</sc_bundles>
